<compile_context>
chip_gen: v7x
topology: tpu7x:2x2x1
jax: 0.10.2.dev20260603
libtpu: 0.0.44.dev20260713+nightly
codegen_flags: <defaults>
</compile_context>

<pallas_src>
import functools

import jax

jax.config.update('jax_enable_x64', True)

import jax.numpy as jnp
import numpy as np
from jax import lax
from jax.experimental import pallas as pl
from jax.experimental.pallas import tpu as pltpu
from jax.experimental.pallas import tpu_sc as plsc

_B, _S = 4, 8192
_MAX_MASKED = 1229
_NVEC = _S // 16



_U32, _U64 = np.uint32, np.uint64


def _threefry2x32(k0, k1, x0, x1):
    x0 = x0.copy()
    x1 = x1.copy()
    ks = [_U32(k0), _U32(k1), _U32(k0) ^ _U32(k1) ^ _U32(0x1BD11BDA)]
    rotations = [(13, 15, 26, 6), (17, 29, 16, 24)]
    with np.errstate(over='ignore'):
        x0 = x0 + ks[0]
        x1 = x1 + ks[1]
        for i in range(5):
            for r in rotations[i % 2]:
                x0 = x0 + x1
                x1 = (x1 << _U32(r)) | (x1 >> _U32(32 - r))
                x1 = x0 ^ x1
            x0 = x0 + ks[(i + 1) % 3]
            x1 = x1 + ks[(i + 2) % 3] + _U32(i + 1)
    return x0, x1


def _iota_2x32(n):
    c = np.arange(n, dtype=_U64)
    return (c >> _U64(32)).astype(_U32), (c & _U64(0xFFFFFFFF)).astype(_U32)


def _split_key(keypair, num):
    c1, c2 = _iota_2x32(num)
    b1, b2 = _threefry2x32(keypair[0], keypair[1], c1, c2)
    return np.stack([b1, b2], axis=1)


def _bits64(keypair, size):
    c1, c2 = _iota_2x32(size)
    b1, b2 = _threefry2x32(keypair[0], keypair[1], c1, c2)
    return (b1.astype(_U64) << _U64(32)) | b2.astype(_U64)


def _uniform_f64(keypair, shape):
    bits = _bits64(keypair, int(np.prod(shape)))
    fb = (bits >> _U64(12)) | np.float64(1.0).view(_U64)
    return np.maximum(0.0, fb.view(np.float64) - 1.0).reshape(shape)


def _randint64(keypair, shape, minval, maxval):
    size = int(np.prod(shape))
    k1, k2 = _split_key(keypair, 2)
    higher, lower = _bits64(k1, size), _bits64(k2, size)
    span = _U64(maxval - minval)
    mult = _U64(pow(2, 32, int(span)))
    mult = (mult * mult) % span
    offset = ((higher % span) * mult + (lower % span)) % span
    return (offset.astype(np.int64) + minval).reshape(shape)


def _derive_constants():
    root = np.array([0, 42], _U32)
    k1, k2, k3, k4 = _split_key(root, 4)
    rand = _uniform_f64(k1, (_B, _S))
    rtp = _uniform_f64(k2, (_B, _S)) < 0.1
    randtok = _randint64(k3, (_B, _S), 0, 32000)
    repl = _uniform_f64(k4, (_B, _S)) < 0.9
    perm = np.argsort(-rand, axis=-1, kind='stable').astype(np.int32)
    rtp &= ~np.isin(randtok, (0, 1, 2))
    ov = np.where(rtp, randtok, np.where(repl, -2, -1)).astype(np.int32)
    ovp = np.take_along_axis(ov, perm, axis=-1)
    pk = perm | ((ovp + 2) << 13)
    return pk, ov


_PK, _OV = _derive_constants()


def _mlm_sc(seq_hbm, pk_hbm, ov_hbm, out_hbm, lab_hbm,
            seqv, pkv, ovv, csv, offsv, icsv, ioffsv, outv, labv,
            sem1, sem2):
    wid = lax.axis_index("s")
    i32 = jnp.int32

    @pl.when(wid < _B)
    def _row():
        row = wid
        cp1 = pltpu.async_copy(seq_hbm.at[row], seqv, sem1)
        cp2 = pltpu.async_copy(pk_hbm.at[row], pkv, sem2)
        cp1.wait()
        cp2.wait()

        lane = lax.iota(jnp.int32, 16)

        def _splat(ref, v):
            return plsc.load_gather(ref, [jnp.full((16,), v, jnp.int32)])

        @plsc.parallel_loop(np.int32(0), np.int32(_NVEC), step=np.int32(1), unroll=4)
        def _pass_a(v):
            v = lax.convert_element_type(v, jnp.int32)
            idx = pkv[pl.ds(v * np.int32(16), 16)] & i32(0x1FFF)
            s = plsc.load_gather(seqv, [idx])
            c = jnp.where(s > i32(2), i32(1), i32(0))
            csv[pl.ds(v * np.int32(16), 16)] = jnp.cumsum(c, dtype=jnp.int32)

        @plsc.parallel_loop(np.int32(0), np.int32(80), step=np.int32(1), unroll=4)
        def _pass_a2(v):
            v = lax.convert_element_type(v, jnp.int32)
            s = seqv[pl.ds(v * np.int32(16), 16)]
            m = jnp.where(s > i32(2), i32(1), i32(0))
            icsv[pl.ds(v * np.int32(16), 16)] = jnp.cumsum(m, dtype=jnp.int32)

        def p_b(g, carry):
            tidx = g * np.int32(256) + lane * np.int32(16) + np.int32(15)
            tot = plsc.load_gather(csv, [tidx])
            cst = jnp.cumsum(tot, dtype=jnp.int32) + carry
            offsv[pl.ds(g * np.int32(16), 16)] = cst - tot
            return carry + jnp.sum(tot, dtype=jnp.int32)

        C = lax.fori_loop(i32(0), i32(_NVEC // 16), p_b, i32(0))

        def p_b2(g, carry):
            tidx = g * np.int32(256) + lane * np.int32(16) + np.int32(15)
            tot = plsc.load_gather(icsv, [tidx])
            cst = jnp.cumsum(tot, dtype=jnp.int32) + carry
            ioffsv[pl.ds(g * np.int32(16), 16)] = cst - tot
            return carry + jnp.sum(tot, dtype=jnp.int32)

        lax.fori_loop(i32(0), i32(5), p_b2, i32(0))

        p = C.astype(jnp.float32) * np.float32(0.15)
        Ti = p.astype(jnp.int32)
        Ti = Ti + jnp.where(Ti.astype(jnp.float32) < p, i32(1), i32(0))

        @plsc.parallel_loop(np.int32(0), np.int32(77), step=np.int32(1), unroll=4, carry=jnp.zeros((16,), jnp.int32))
        def kacc(v, acc):
            v = lax.convert_element_type(v, jnp.int32)
            csg = icsv[pl.ds(v * np.int32(16), 16)] + _splat(ioffsv, v)
            valid = (v * np.int32(16) + lane) < i32(_MAX_MASKED)
            return acc + jnp.where(valid & (csg <= Ti), i32(1), i32(0))

        K = jnp.sum(kacc, dtype=jnp.int32)

        @plsc.parallel_loop(np.int32(0), np.int32(_NVEC), step=np.int32(1), unroll=4)
        def _pass_c(v):
            v = lax.convert_element_type(v, jnp.int32)
            w = pkv[pl.ds(v * np.int32(16), 16)]
            idx = w & i32(0x1FFF)
            o = (w >> i32(13)) - i32(2)
            s = plsc.load_gather(seqv, [idx])
            csg = csv[pl.ds(v * np.int32(16), 16)] + _splat(offsv, v)
            selb = (s > i32(2)) & (csg <= K)
            outp = jnp.where(o >= i32(0), o,
                             jnp.where((o == i32(-2)) & selb, i32(2), s))
            labp = jnp.where(selb, s, i32(0))
            plsc.store_scatter(outv, [idx], outp)
            plsc.store_scatter(labv, [idx], labp)

        @pl.when(K > C)
        def _overflow():
            pltpu.sync_copy(ov_hbm.at[row], ovv)

            def p4(v, run):
                s = seqv[pl.ds(v * np.int32(16), 16)]
                nc = jnp.where(s > i32(2), i32(0), i32(1))
                ncs = jnp.cumsum(nc, dtype=jnp.int32) + run
                extra = (nc > i32(0)) & (C + ncs <= K)
                o = ovv[pl.ds(v * np.int32(16), 16)]
                outv[pl.ds(v * np.int32(16), 16)] = jnp.where(
                    extra & (o == i32(-2)), i32(2),
                    outv[pl.ds(v * np.int32(16), 16)])
                labv[pl.ds(v * np.int32(16), 16)] = jnp.where(
                    extra, s, labv[pl.ds(v * np.int32(16), 16)])
                return run + jnp.sum(nc, dtype=jnp.int32)

            lax.fori_loop(i32(0), i32(_NVEC), p4, i32(0))

        pltpu.sync_copy(outv, out_hbm.at[row])
        pltpu.sync_copy(labv, lab_hbm.at[row])


@functools.cache
def _build_mlm_sc():
    return pl.kernel(
        _mlm_sc,
        out_type=(
            jax.ShapeDtypeStruct((_B, _S), jnp.int32),
            jax.ShapeDtypeStruct((_B, _S), jnp.int32),
        ),
        mesh=plsc.VectorSubcoreMesh(core_axis_name="c", subcore_axis_name="s", num_cores=1),
        compiler_params=pltpu.CompilerParams(needs_layout_passes=False),
        scratch_types=[
            pltpu.VMEM((_S,), jnp.int32),
            pltpu.VMEM((_S,), jnp.int32),
            pltpu.VMEM((_S,), jnp.int32),
            pltpu.VMEM((_S,), jnp.int32),
            pltpu.VMEM((_NVEC,), jnp.int32),
            pltpu.VMEM((1280,), jnp.int32),
            pltpu.VMEM((80,), jnp.int32),
            pltpu.VMEM((_S,), jnp.int32),
            pltpu.VMEM((_S,), jnp.int32),
            pltpu.SemaphoreType.DMA,
            pltpu.SemaphoreType.DMA,
        ],
    )


def kernel(seq):
    seq32 = seq.astype(jnp.int32)
    out32, lab32 = _build_mlm_sc()(seq32, jnp.asarray(_PK), jnp.asarray(_OV))
    return out32.astype(jnp.int64), lab32.astype(jnp.int64)

# --- scband reference (transcript-rebuilt; emitter-appended) ---
"""Pipeline reference for scband-mlm-61521111548138 (READ-ONLY COPY).

The authoritative reference and input builder live on the scoring server;
editing this copy changes nothing except your own understanding.
"""

import jax
jax.config.update('jax_enable_x64', True)
import jax.numpy as jnp
import numpy as np
import math
from functools import reduce

MASK_PROB = 0.15
REPLACE_PROB = 0.9
NUM_TOKENS = 32000
RANDOM_TOKEN_PROB = 0.1
MASK_TOKEN_ID = 2
PAD_TOKEN_ID = 0
IGNORE_IDS = (0, 1, 2)


def mask_with_tokens(t, token_ids):
    init_no_mask = jnp.zeros(t.shape, dtype=bool)
    return reduce(lambda acc, el: acc | (t == el), token_ids, init_no_mask)


def prob_mask_like(key, shape, prob):
    return jax.random.uniform(key, shape) < prob


def get_mask_subset_with_prob(key, mask, prob):
    batch, seq_len = mask.shape
    max_masked = math.ceil(prob * seq_len)
    num_tokens = mask.sum(axis=-1, keepdims=True)
    mask_excess = jnp.cumsum(mask.astype(jnp.int64), axis=-1) > jnp.ceil(num_tokens.astype(jnp.float32) * prob)
    mask_excess = mask_excess[:, :max_masked]
    rand = jax.random.uniform(key, (batch, seq_len))
    rand = jnp.where(mask, rand, -1e9)
    _, sampled_indices = jax.lax.top_k(rand, max_masked)
    sampled_indices = jnp.where(mask_excess, 0, sampled_indices + 1)
    new_mask = jnp.zeros((batch, seq_len + 1), dtype=jnp.float32)
    b_idx = jnp.arange(batch)[:, None]
    new_mask = new_mask.at[b_idx, sampled_indices].set(1.0)
    return new_mask[:, 1:].astype(bool)


def setup_inputs(seed: int = 0) -> dict:
    key = jax.random.key(seed)
    seq = jax.random.randint(key, (4, 8192), 0, 32000, dtype=jnp.int64)
    return {'seq': seq}


def reference(seq):
    key = jax.random.key(42)
    k1, k2, k3, k4 = jax.random.split(key, 4)
    no_mask = mask_with_tokens(seq, IGNORE_IDS)
    mask = get_mask_subset_with_prob(k1, ~no_mask, MASK_PROB)
    masked_seq = seq
    labels = jnp.where(mask, seq, PAD_TOKEN_ID).astype(jnp.int64)
    if RANDOM_TOKEN_PROB > 0:
        random_token_prob = prob_mask_like(k2, seq.shape, RANDOM_TOKEN_PROB)
        random_tokens = jax.random.randint(k3, seq.shape, 0, NUM_TOKENS, dtype=seq.dtype)
        random_no_mask = mask_with_tokens(random_tokens, IGNORE_IDS)
        random_token_prob = random_token_prob & (~random_no_mask)
        masked_seq = jnp.where(random_token_prob, random_tokens, masked_seq)
        mask = mask & (~random_token_prob)
    replace_prob = prob_mask_like(k4, seq.shape, REPLACE_PROB)
    masked_seq = jnp.where(mask & replace_prob, MASK_TOKEN_ID, masked_seq)
    return (masked_seq, labels)

if __name__ == "__main__":
    import jax
    _d = setup_inputs()
    print(jax.jit(kernel)(*tuple(_d.values())))

</pallas_src>

<mosaic_0001>
#map = affine_map<(d0, d1) -> (0, 0)>
module attributes {stable_mosaic.version = 14 : i64} {
  func.func @_mlm_sc(%arg0: i32, %arg1: i32, %arg2: memref<4x8192xi32, #tpu.memory_space<hbm>>, %arg3: memref<4x8192xi32, #tpu.memory_space<hbm>>, %arg4: memref<4x8192xi32, #tpu.memory_space<hbm>>, %arg5: memref<4x8192xi32, #tpu.memory_space<hbm>>, %arg6: memref<4x8192xi32, #tpu.memory_space<hbm>>, %arg7: memref<8192xi32, #tpu.memory_space<vmem>>, %arg8: memref<8192xi32, #tpu.memory_space<vmem>>, %arg9: memref<8192xi32, #tpu.memory_space<vmem>>, %arg10: memref<8192xi32, #tpu.memory_space<vmem>>, %arg11: memref<512xi32, #tpu.memory_space<vmem>>, %arg12: memref<1280xi32, #tpu.memory_space<vmem>>, %arg13: memref<80xi32, #tpu.memory_space<vmem>>, %arg14: memref<8192xi32, #tpu.memory_space<vmem>>, %arg15: memref<8192xi32, #tpu.memory_space<vmem>>, %arg16: memref<!tpu.dma_semaphore, #tpu.memory_space<semaphore_mem>>, %arg17: memref<!tpu.dma_semaphore, #tpu.memory_space<semaphore_mem>>) attributes {dimension_semantics = [#tpu.dimension_semantics<core_parallel>, #tpu.dimension_semantics<subcore_parallel>], iteration_bounds = array<i64: 1, 16>, scalar_prefetch = 0 : i64, scratch_operands = 11 : i64, tpu.core_type = #tpu.core_type<sc_vector_subcore>, window_params = [{transform_indices = #map}, {transform_indices = #map}, {transform_indices = #map}, {transform_indices = #map}, {transform_indices = #map}]} {
    %lt3A = arith.constant 4 : i32
    %lt3A_0 = arith.cmpi slt, %arg1, %lt3A : i32
    %convert_element_type3A = arith.extui %lt3A_0 : i1 to i32
    %cond3A = arith.constant 0 : i32
    %cond3A_1 = arith.cmpi ne, %convert_element_type3A, %cond3A : i32
    scf.if %cond3A_1 {
      %dma_start3A = arith.constant 0 : i32
      %dma_start3A_2 = tpu.memref_slice %arg2[%arg1, %dma_start3A] : memref<4x8192xi32, #tpu.memory_space<hbm>> -> memref<1x8192xi32, #tpu.memory_space<hbm>>
      %dma_start3A_3 = tpu.memref_squeeze %dma_start3A_2 : memref<1x8192xi32, #tpu.memory_space<hbm>> -> memref<8192xi32, #tpu.memory_space<hbm>>
      %dma_start3A_4 = arith.constant 0 : i32
      %dma_start3A_5 = tpu.memref_slice %arg2[%arg1, %dma_start3A_4] : memref<4x8192xi32, #tpu.memory_space<hbm>> -> memref<1x8192xi32, #tpu.memory_space<hbm>>
      %dma_start3A_6 = tpu.memref_squeeze %dma_start3A_5 : memref<1x8192xi32, #tpu.memory_space<hbm>> -> memref<8192xi32, #tpu.memory_space<hbm>>
      tpu.enqueue_dma source(%dma_start3A_6 : memref<8192xi32, #tpu.memory_space<hbm>>) target(%arg7 : memref<8192xi32, #tpu.memory_space<vmem>>) target_semaphore(%arg16 : memref<!tpu.dma_semaphore, #tpu.memory_space<semaphore_mem>>)
      %dma_start3A_7 = arith.constant 0 : i32
      %dma_start3A_8 = tpu.memref_slice %arg3[%arg1, %dma_start3A_7] : memref<4x8192xi32, #tpu.memory_space<hbm>> -> memref<1x8192xi32, #tpu.memory_space<hbm>>
      %dma_start3A_9 = tpu.memref_squeeze %dma_start3A_8 : memref<1x8192xi32, #tpu.memory_space<hbm>> -> memref<8192xi32, #tpu.memory_space<hbm>>
      %dma_start3A_10 = arith.constant 0 : i32
      %dma_start3A_11 = tpu.memref_slice %arg3[%arg1, %dma_start3A_10] : memref<4x8192xi32, #tpu.memory_space<hbm>> -> memref<1x8192xi32, #tpu.memory_space<hbm>>
      %dma_start3A_12 = tpu.memref_squeeze %dma_start3A_11 : memref<1x8192xi32, #tpu.memory_space<hbm>> -> memref<8192xi32, #tpu.memory_space<hbm>>
      tpu.enqueue_dma source(%dma_start3A_12 : memref<8192xi32, #tpu.memory_space<hbm>>) target(%arg8 : memref<8192xi32, #tpu.memory_space<vmem>>) target_semaphore(%arg17 : memref<!tpu.dma_semaphore, #tpu.memory_space<semaphore_mem>>)
      %dma_wait3A = arith.constant 0 : i32
      %dma_wait3A_13 = tpu.memref_slice %arg2[%arg1, %dma_wait3A] : memref<4x8192xi32, #tpu.memory_space<hbm>> -> memref<1x8192xi32, #tpu.memory_space<hbm>>
      %dma_wait3A_14 = tpu.memref_squeeze %dma_wait3A_13 : memref<1x8192xi32, #tpu.memory_space<hbm>> -> memref<8192xi32, #tpu.memory_space<hbm>>
      %dma_wait3A_15 = arith.constant 0 : i32
      %dma_wait3A_16 = tpu.memref_slice %arg2[%arg1, %dma_wait3A_15] : memref<4x8192xi32, #tpu.memory_space<hbm>> -> memref<1x8192xi32, #tpu.memory_space<hbm>>
      %dma_wait3A_17 = tpu.memref_squeeze %dma_wait3A_16 : memref<1x8192xi32, #tpu.memory_space<hbm>> -> memref<8192xi32, #tpu.memory_space<hbm>>
      tpu.wait_dma2 semaphore(%arg16 : memref<!tpu.dma_semaphore, #tpu.memory_space<semaphore_mem>>) src(%dma_wait3A_17 : memref<8192xi32, #tpu.memory_space<hbm>>) dst(%arg7 : memref<8192xi32, #tpu.memory_space<vmem>>)
      %dma_wait3A_18 = arith.constant 0 : i32
      %dma_wait3A_19 = tpu.memref_slice %arg3[%arg1, %dma_wait3A_18] : memref<4x8192xi32, #tpu.memory_space<hbm>> -> memref<1x8192xi32, #tpu.memory_space<hbm>>
      %dma_wait3A_20 = tpu.memref_squeeze %dma_wait3A_19 : memref<1x8192xi32, #tpu.memory_space<hbm>> -> memref<8192xi32, #tpu.memory_space<hbm>>
      %dma_wait3A_21 = arith.constant 0 : i32
      %dma_wait3A_22 = tpu.memref_slice %arg3[%arg1, %dma_wait3A_21] : memref<4x8192xi32, #tpu.memory_space<hbm>> -> memref<1x8192xi32, #tpu.memory_space<hbm>>
      %dma_wait3A_23 = tpu.memref_squeeze %dma_wait3A_22 : memref<1x8192xi32, #tpu.memory_space<hbm>> -> memref<8192xi32, #tpu.memory_space<hbm>>
      tpu.wait_dma2 semaphore(%arg17 : memref<!tpu.dma_semaphore, #tpu.memory_space<semaphore_mem>>) src(%dma_wait3A_23 : memref<8192xi32, #tpu.memory_space<hbm>>) dst(%arg8 : memref<8192xi32, #tpu.memory_space<vmem>>)
      %iota3A = tpu.iota {dimensions = array<i32: 0>} : vector<16xi32>
      %parallel_loop3A = arith.constant 0 : i32
      %parallel_loop3A_24 = arith.constant 512 : i32
      %parallel_loop3A_25 = arith.constant 1 : i32
      scf.for %parallel_loop3A_74 = %parallel_loop3A to %parallel_loop3A_24 step %parallel_loop3A_25  : i32 {
        %parallel_loop3A_75 = arith.constant 16 : i32
        %parallel_loop3A_76 = arith.muli %parallel_loop3A_74, %parallel_loop3A_75 : i32
        %parallel_loop3A_77 = arith.index_cast %parallel_loop3A_76 : i32 to index
        %parallel_loop3A_78 = tpu.vector_load %arg8[%parallel_loop3A_77] {strides = array<i32>} : memref<8192xi32, #tpu.memory_space<vmem>>, vector<16xi32>,
        %parallel_loop3A_79 = arith.constant 8191 : i32
        %parallel_loop3A_80 = vector.broadcast %parallel_loop3A_79 : i32 to vector<16xi32>
        %parallel_loop3A_81 = arith.andi %parallel_loop3A_78, %parallel_loop3A_80 : vector<16xi32>
        %parallel_loop3A_82 = tpu.vector_load_idx %arg7[%parallel_loop3A_81] : memref<8192xi32, #tpu.memory_space<vmem>>[vector<16xi32>], vector<16xi32>,
        %parallel_loop3A_83 = arith.constant 2 : i32
        %parallel_loop3A_84 = vector.broadcast %parallel_loop3A_83 : i32 to vector<16xi32>
        %parallel_loop3A_85 = arith.cmpi sgt, %parallel_loop3A_82, %parallel_loop3A_84 : vector<16xi32>
        %parallel_loop3A_86 = arith.constant 1 : i32
        %parallel_loop3A_87 = arith.constant 0 : i32
        %parallel_loop3A_88 = vector.broadcast %parallel_loop3A_86 : i32 to vector<16xi32>
        %parallel_loop3A_89 = vector.broadcast %parallel_loop3A_87 : i32 to vector<16xi32>
        %parallel_loop3A_90 = arith.select %parallel_loop3A_85, %parallel_loop3A_88, %parallel_loop3A_89 : vector<16xi1>, vector<16xi32>
        %parallel_loop3A_91 = arith.constant true
        %parallel_loop3A_92 = vector.broadcast %parallel_loop3A_91 : i1 to vector<16xi1>
        %parallel_loop3A_93 = tpu.scan <sum>, %parallel_loop3A_90 masked %parallel_loop3A_92 : vector<16xi32>, vector<16xi1> -> vector<16xi32>
        %parallel_loop3A_94 = arith.constant 16 : i32
        %parallel_loop3A_95 = arith.muli %parallel_loop3A_74, %parallel_loop3A_94 : i32
        %parallel_loop3A_96 = arith.index_cast %parallel_loop3A_95 : i32 to index
        %parallel_loop3A_97 = tpu.vector_load %arg10[%parallel_loop3A_96] {strides = array<i32>} : memref<8192xi32, #tpu.memory_space<vmem>>, vector<16xi32>,
        tpu.vector_store %arg10[%parallel_loop3A_96], %parallel_loop3A_93 {strides = array<i32>} : memref<8192xi32, #tpu.memory_space<vmem>>, vector<16xi32>,
      } {sc.loop_unroll_factor = 4 : i64, sc.parallel_access}
      %parallel_loop3A_26 = arith.constant 0 : i32
      %parallel_loop3A_27 = arith.constant 80 : i32
      %parallel_loop3A_28 = arith.constant 1 : i32
      scf.for %parallel_loop3A_74 = %parallel_loop3A_26 to %parallel_loop3A_27 step %parallel_loop3A_28  : i32 {
        %parallel_loop3A_75 = arith.constant 16 : i32
        %parallel_loop3A_76 = arith.muli %parallel_loop3A_74, %parallel_loop3A_75 : i32
        %parallel_loop3A_77 = arith.index_cast %parallel_loop3A_76 : i32 to index
        %parallel_loop3A_78 = tpu.vector_load %arg7[%parallel_loop3A_77] {strides = array<i32>} : memref<8192xi32, #tpu.memory_space<vmem>>, vector<16xi32>,
        %parallel_loop3A_79 = arith.constant 2 : i32
        %parallel_loop3A_80 = vector.broadcast %parallel_loop3A_79 : i32 to vector<16xi32>
        %parallel_loop3A_81 = arith.cmpi sgt, %parallel_loop3A_78, %parallel_loop3A_80 : vector<16xi32>
        %parallel_loop3A_82 = arith.constant 1 : i32
        %parallel_loop3A_83 = arith.constant 0 : i32
        %parallel_loop3A_84 = vector.broadcast %parallel_loop3A_82 : i32 to vector<16xi32>
        %parallel_loop3A_85 = vector.broadcast %parallel_loop3A_83 : i32 to vector<16xi32>
        %parallel_loop3A_86 = arith.select %parallel_loop3A_81, %parallel_loop3A_84, %parallel_loop3A_85 : vector<16xi1>, vector<16xi32>
        %parallel_loop3A_87 = arith.constant true
        %parallel_loop3A_88 = vector.broadcast %parallel_loop3A_87 : i1 to vector<16xi1>
        %parallel_loop3A_89 = tpu.scan <sum>, %parallel_loop3A_86 masked %parallel_loop3A_88 : vector<16xi32>, vector<16xi1> -> vector<16xi32>
        %parallel_loop3A_90 = arith.constant 16 : i32
        %parallel_loop3A_91 = arith.muli %parallel_loop3A_74, %parallel_loop3A_90 : i32
        %parallel_loop3A_92 = arith.index_cast %parallel_loop3A_91 : i32 to index
        %parallel_loop3A_93 = tpu.vector_load %arg12[%parallel_loop3A_92] {strides = array<i32>} : memref<1280xi32, #tpu.memory_space<vmem>>, vector<16xi32>,
        tpu.vector_store %arg12[%parallel_loop3A_92], %parallel_loop3A_89 {strides = array<i32>} : memref<1280xi32, #tpu.memory_space<vmem>>, vector<16xi32>,
      } {sc.loop_unroll_factor = 4 : i64, sc.parallel_access}
      %while3A = arith.constant 0 : i32
      %while3A_29 = arith.constant 32 : i32
      %while3A_30 = arith.constant 0 : i32
      %while3A_31 = arith.subi %while3A_29, %while3A : i32
      %while3A_32 = arith.addi %while3A, %while3A_31 : i32
      %while3A_33 = arith.constant 1 : i32
      %while3A_34 = arith.divsi %while3A_31, %while3A_33 : i32
      %while3A_35 = arith.muli %while3A_34, %while3A_33 : i32
      %while3A_36 = arith.addi %while3A, %while3A_35 : i32
      %while3A_37 = arith.constant 1 : i32
      %while3A_38 = scf.for %while3A_74 = %while3A to %while3A_36 step %while3A_37 iter_args(%while3A_75 = %while3A_30) -> (i32)  : i32 {
        %mul3A_76 = arith.constant 256 : i32
        %mul3A_77 = arith.muli %while3A_74, %mul3A_76 : i32
        %mul3A_78 = arith.constant 16 : i32
        %mul3A_79 = vector.broadcast %mul3A_78 : i32 to vector<16xi32>
        %mul3A_80 = arith.muli %iota3A, %mul3A_79 : vector<16xi32>
        %add3A_81 = vector.broadcast %mul3A_77 : i32 to vector<16xi32>
        %add3A_82 = arith.addi %add3A_81, %mul3A_80 : vector<16xi32>
        %add3A_83 = arith.constant 15 : i32
        %add3A_84 = vector.broadcast %add3A_83 : i32 to vector<16xi32>
        %add3A_85 = arith.addi %add3A_82, %add3A_84 : vector<16xi32>
        %gather3A = tpu.vector_load_idx %arg10[%add3A_85] : memref<8192xi32, #tpu.memory_space<vmem>>[vector<16xi32>], vector<16xi32>,
        %cumsum3A = arith.constant true
        %cumsum3A_86 = vector.broadcast %cumsum3A : i1 to vector<16xi1>
        %cumsum3A_87 = tpu.scan <sum>, %gather3A masked %cumsum3A_86 : vector<16xi32>, vector<16xi1> -> vector<16xi32>
        %add3A_88 = vector.broadcast %while3A_75 : i32 to vector<16xi32>
        %add3A_89 = arith.addi %cumsum3A_87, %add3A_88 : vector<16xi32>
        %sub3A = arith.subi %add3A_89, %gather3A : vector<16xi32>
        %mul3A_90 = arith.constant 16 : i32
        %mul3A_91 = arith.muli %while3A_74, %mul3A_90 : i32
        %swap3A = arith.index_cast %mul3A_91 : i32 to index
        %swap3A_92 = tpu.vector_load %arg11[%swap3A] {strides = array<i32>} : memref<512xi32, #tpu.memory_space<vmem>>, vector<16xi32>,
        tpu.vector_store %arg11[%swap3A], %sub3A {strides = array<i32>} : memref<512xi32, #tpu.memory_space<vmem>>, vector<16xi32>,
        %reduce_sum3A_93 = arith.constant true
        %reduce_sum3A_94 = vector.broadcast %reduce_sum3A_93 : i1 to vector<16xi1>
        %reduce_sum3A_95 = tpu.scan <sum>, %gather3A masked %reduce_sum3A_94 : vector<16xi32>, vector<16xi1> -> vector<16xi32>
        %reduce_sum3A_96 = vector.extract %reduce_sum3A_95[15] : i32 from vector<16xi32>
        %add3A_97 = arith.addi %while3A_75, %reduce_sum3A_96 : i32
        scf.yield %add3A_97 : i32
      }
      %while3A_39 = arith.constant 1 : i32
      %while3A_40 = scf.for %while3A_74 = %while3A_36 to %while3A_32 step %while3A_39 iter_args(%while3A_75 = %while3A_38) -> (i32)  : i32 {
        %mul3A_76 = arith.constant 256 : i32
        %mul3A_77 = arith.muli %while3A_74, %mul3A_76 : i32
        %mul3A_78 = arith.constant 16 : i32
        %mul3A_79 = vector.broadcast %mul3A_78 : i32 to vector<16xi32>
        %mul3A_80 = arith.muli %iota3A, %mul3A_79 : vector<16xi32>
        %add3A_81 = vector.broadcast %mul3A_77 : i32 to vector<16xi32>
        %add3A_82 = arith.addi %add3A_81, %mul3A_80 : vector<16xi32>
        %add3A_83 = arith.constant 15 : i32
        %add3A_84 = vector.broadcast %add3A_83 : i32 to vector<16xi32>
        %add3A_85 = arith.addi %add3A_82, %add3A_84 : vector<16xi32>
        %gather3A = tpu.vector_load_idx %arg10[%add3A_85] : memref<8192xi32, #tpu.memory_space<vmem>>[vector<16xi32>], vector<16xi32>,
        %cumsum3A = arith.constant true
        %cumsum3A_86 = vector.broadcast %cumsum3A : i1 to vector<16xi1>
        %cumsum3A_87 = tpu.scan <sum>, %gather3A masked %cumsum3A_86 : vector<16xi32>, vector<16xi1> -> vector<16xi32>
        %add3A_88 = vector.broadcast %while3A_75 : i32 to vector<16xi32>
        %add3A_89 = arith.addi %cumsum3A_87, %add3A_88 : vector<16xi32>
        %sub3A = arith.subi %add3A_89, %gather3A : vector<16xi32>
        %mul3A_90 = arith.constant 16 : i32
        %mul3A_91 = arith.muli %while3A_74, %mul3A_90 : i32
        %swap3A = arith.index_cast %mul3A_91 : i32 to index
        %swap3A_92 = tpu.vector_load %arg11[%swap3A] {strides = array<i32>} : memref<512xi32, #tpu.memory_space<vmem>>, vector<16xi32>,
        tpu.vector_store %arg11[%swap3A], %sub3A {strides = array<i32>} : memref<512xi32, #tpu.memory_space<vmem>>, vector<16xi32>,
        %reduce_sum3A_93 = arith.constant true
        %reduce_sum3A_94 = vector.broadcast %reduce_sum3A_93 : i1 to vector<16xi1>
        %reduce_sum3A_95 = tpu.scan <sum>, %gather3A masked %reduce_sum3A_94 : vector<16xi32>, vector<16xi1> -> vector<16xi32>
        %reduce_sum3A_96 = vector.extract %reduce_sum3A_95[15] : i32 from vector<16xi32>
        %add3A_97 = arith.addi %while3A_75, %reduce_sum3A_96 : i32
        scf.yield %add3A_97 : i32
      }
      %while3A_41 = arith.constant 0 : i32
      %while3A_42 = arith.constant 5 : i32
      %while3A_43 = arith.constant 0 : i32
      %while3A_44 = arith.subi %while3A_42, %while3A_41 : i32
      %while3A_45 = arith.addi %while3A_41, %while3A_44 : i32
      %while3A_46 = arith.constant 1 : i32
      %while3A_47 = arith.divsi %while3A_44, %while3A_46 : i32
      %while3A_48 = arith.muli %while3A_47, %while3A_46 : i32
      %while3A_49 = arith.addi %while3A_41, %while3A_48 : i32
      %while3A_50 = arith.constant 1 : i32
      %while3A_51 = scf.for %while3A_74 = %while3A_41 to %while3A_49 step %while3A_50 iter_args(%while3A_75 = %while3A_43) -> (i32)  : i32 {
        %mul3A_76 = arith.constant 256 : i32
        %mul3A_77 = arith.muli %while3A_74, %mul3A_76 : i32
        %mul3A_78 = arith.constant 16 : i32
        %mul3A_79 = vector.broadcast %mul3A_78 : i32 to vector<16xi32>
        %mul3A_80 = arith.muli %iota3A, %mul3A_79 : vector<16xi32>
        %add3A_81 = vector.broadcast %mul3A_77 : i32 to vector<16xi32>
        %add3A_82 = arith.addi %add3A_81, %mul3A_80 : vector<16xi32>
        %add3A_83 = arith.constant 15 : i32
        %add3A_84 = vector.broadcast %add3A_83 : i32 to vector<16xi32>
        %add3A_85 = arith.addi %add3A_82, %add3A_84 : vector<16xi32>
        %gather3A = tpu.vector_load_idx %arg12[%add3A_85] : memref<1280xi32, #tpu.memory_space<vmem>>[vector<16xi32>], vector<16xi32>,
        %cumsum3A = arith.constant true
        %cumsum3A_86 = vector.broadcast %cumsum3A : i1 to vector<16xi1>
        %cumsum3A_87 = tpu.scan <sum>, %gather3A masked %cumsum3A_86 : vector<16xi32>, vector<16xi1> -> vector<16xi32>
        %add3A_88 = vector.broadcast %while3A_75 : i32 to vector<16xi32>
        %add3A_89 = arith.addi %cumsum3A_87, %add3A_88 : vector<16xi32>
        %sub3A = arith.subi %add3A_89, %gather3A : vector<16xi32>
        %mul3A_90 = arith.constant 16 : i32
        %mul3A_91 = arith.muli %while3A_74, %mul3A_90 : i32
        %swap3A = arith.index_cast %mul3A_91 : i32 to index
        %swap3A_92 = tpu.vector_load %arg13[%swap3A] {strides = array<i32>} : memref<80xi32, #tpu.memory_space<vmem>>, vector<16xi32>,
        tpu.vector_store %arg13[%swap3A], %sub3A {strides = array<i32>} : memref<80xi32, #tpu.memory_space<vmem>>, vector<16xi32>,
        %reduce_sum3A_93 = arith.constant true
        %reduce_sum3A_94 = vector.broadcast %reduce_sum3A_93 : i1 to vector<16xi1>
        %reduce_sum3A_95 = tpu.scan <sum>, %gather3A masked %reduce_sum3A_94 : vector<16xi32>, vector<16xi1> -> vector<16xi32>
        %reduce_sum3A_96 = vector.extract %reduce_sum3A_95[15] : i32 from vector<16xi32>
        %add3A_97 = arith.addi %while3A_75, %reduce_sum3A_96 : i32
        scf.yield %add3A_97 : i32
      }
      %while3A_52 = arith.constant 1 : i32
      %while3A_53 = scf.for %while3A_74 = %while3A_49 to %while3A_45 step %while3A_52 iter_args(%while3A_75 = %while3A_51) -> (i32)  : i32 {
        %mul3A_76 = arith.constant 256 : i32
        %mul3A_77 = arith.muli %while3A_74, %mul3A_76 : i32
        %mul3A_78 = arith.constant 16 : i32
        %mul3A_79 = vector.broadcast %mul3A_78 : i32 to vector<16xi32>
        %mul3A_80 = arith.muli %iota3A, %mul3A_79 : vector<16xi32>
        %add3A_81 = vector.broadcast %mul3A_77 : i32 to vector<16xi32>
        %add3A_82 = arith.addi %add3A_81, %mul3A_80 : vector<16xi32>
        %add3A_83 = arith.constant 15 : i32
        %add3A_84 = vector.broadcast %add3A_83 : i32 to vector<16xi32>
        %add3A_85 = arith.addi %add3A_82, %add3A_84 : vector<16xi32>
        %gather3A = tpu.vector_load_idx %arg12[%add3A_85] : memref<1280xi32, #tpu.memory_space<vmem>>[vector<16xi32>], vector<16xi32>,
        %cumsum3A = arith.constant true
        %cumsum3A_86 = vector.broadcast %cumsum3A : i1 to vector<16xi1>
        %cumsum3A_87 = tpu.scan <sum>, %gather3A masked %cumsum3A_86 : vector<16xi32>, vector<16xi1> -> vector<16xi32>
        %add3A_88 = vector.broadcast %while3A_75 : i32 to vector<16xi32>
        %add3A_89 = arith.addi %cumsum3A_87, %add3A_88 : vector<16xi32>
        %sub3A = arith.subi %add3A_89, %gather3A : vector<16xi32>
        %mul3A_90 = arith.constant 16 : i32
        %mul3A_91 = arith.muli %while3A_74, %mul3A_90 : i32
        %swap3A = arith.index_cast %mul3A_91 : i32 to index
        %swap3A_92 = tpu.vector_load %arg13[%swap3A] {strides = array<i32>} : memref<80xi32, #tpu.memory_space<vmem>>, vector<16xi32>,
        tpu.vector_store %arg13[%swap3A], %sub3A {strides = array<i32>} : memref<80xi32, #tpu.memory_space<vmem>>, vector<16xi32>,
        %reduce_sum3A_93 = arith.constant true
        %reduce_sum3A_94 = vector.broadcast %reduce_sum3A_93 : i1 to vector<16xi1>
        %reduce_sum3A_95 = tpu.scan <sum>, %gather3A masked %reduce_sum3A_94 : vector<16xi32>, vector<16xi1> -> vector<16xi32>
        %reduce_sum3A_96 = vector.extract %reduce_sum3A_95[15] : i32 from vector<16xi32>
        %add3A_97 = arith.addi %while3A_75, %reduce_sum3A_96 : i32
        scf.yield %add3A_97 : i32
      }
      %convert_element_type3A_54 = arith.sitofp %while3A_40 : i32 to f32
      %mul3A = arith.constant 1.500000e-01 : f32
      %mul3A_55 = arith.mulf %convert_element_type3A_54, %mul3A : f32
      %convert_element_type3A_56 = arith.fptosi %mul3A_55 : f32 to i32
      %convert_element_type3A_57 = arith.sitofp %convert_element_type3A_56 : i32 to f32
      %lt3A_58 = arith.cmpf olt, %convert_element_type3A_57, %mul3A_55 : f32
      %jit3A = arith.constant 1 : i32
      %jit3A_59 = arith.constant 0 : i32
      %select_n3A = arith.select %lt3A_58, %jit3A, %jit3A_59 : i32
      %add3A = arith.addi %convert_element_type3A_56, %select_n3A : i32
      %broadcast_in_dim3A = arith.constant 0 : i32
      %broadcast_in_dim3A_60 = vector.broadcast %broadcast_in_dim3A : i32 to vector<16xi32>
      %parallel_loop3A_61 = arith.constant 0 : i32
      %parallel_loop3A_62 = arith.constant 77 : i32
      %parallel_loop3A_63 = arith.constant 1 : i32
      %parallel_loop3A_64 = scf.for %parallel_loop3A_74 = %parallel_loop3A_61 to %parallel_loop3A_62 step %parallel_loop3A_63 iter_args(%parallel_loop3A_75 = %broadcast_in_dim3A_60) -> (vector<16xi32>)  : i32 {
        %parallel_loop3A_76 = arith.constant 16 : i32
        %parallel_loop3A_77 = arith.muli %parallel_loop3A_74, %parallel_loop3A_76 : i32
        %parallel_loop3A_78 = arith.index_cast %parallel_loop3A_77 : i32 to index
        %parallel_loop3A_79 = tpu.vector_load %arg12[%parallel_loop3A_78] {strides = array<i32>} : memref<1280xi32, #tpu.memory_space<vmem>>, vector<16xi32>,
        %parallel_loop3A_80 = vector.broadcast %parallel_loop3A_74 : i32 to vector<16xi32>
        %parallel_loop3A_81 = tpu.vector_load_idx %arg13[%parallel_loop3A_80] : memref<80xi32, #tpu.memory_space<vmem>>[vector<16xi32>], vector<16xi32>,
        %parallel_loop3A_82 = arith.addi %parallel_loop3A_79, %parallel_loop3A_81 : vector<16xi32>
        %parallel_loop3A_83 = arith.constant 16 : i32
        %parallel_loop3A_84 = arith.muli %parallel_loop3A_74, %parallel_loop3A_83 : i32
        %parallel_loop3A_85 = vector.broadcast %parallel_loop3A_84 : i32 to vector<16xi32>
        %parallel_loop3A_86 = arith.addi %parallel_loop3A_85, %iota3A : vector<16xi32>
        %parallel_loop3A_87 = arith.constant 1229 : i32
        %parallel_loop3A_88 = vector.broadcast %parallel_loop3A_87 : i32 to vector<16xi32>
        %parallel_loop3A_89 = arith.cmpi slt, %parallel_loop3A_86, %parallel_loop3A_88 : vector<16xi32>
        %parallel_loop3A_90 = vector.broadcast %add3A : i32 to vector<16xi32>
        %parallel_loop3A_91 = arith.cmpi sle, %parallel_loop3A_82, %parallel_loop3A_90 : vector<16xi32>
        %parallel_loop3A_92 = arith.andi %parallel_loop3A_89, %parallel_loop3A_91 : vector<16xi1>
        %parallel_loop3A_93 = arith.constant 1 : i32
        %parallel_loop3A_94 = arith.constant 0 : i32
        %parallel_loop3A_95 = vector.broadcast %parallel_loop3A_93 : i32 to vector<16xi32>
        %parallel_loop3A_96 = vector.broadcast %parallel_loop3A_94 : i32 to vector<16xi32>
        %parallel_loop3A_97 = arith.select %parallel_loop3A_92, %parallel_loop3A_95, %parallel_loop3A_96 : vector<16xi1>, vector<16xi32>
        %parallel_loop3A_98 = arith.addi %parallel_loop3A_75, %parallel_loop3A_97 : vector<16xi32>
        scf.yield %parallel_loop3A_98 : vector<16xi32>
      } {sc.loop_unroll_factor = 4 : i64, sc.parallel_access}
      %reduce_sum3A = arith.constant true
      %reduce_sum3A_65 = vector.broadcast %reduce_sum3A : i1 to vector<16xi1>
      %reduce_sum3A_66 = tpu.scan <sum>, %parallel_loop3A_64 masked %reduce_sum3A_65 : vector<16xi32>, vector<16xi1> -> vector<16xi32>
      %reduce_sum3A_67 = vector.extract %reduce_sum3A_66[15] : i32 from vector<16xi32>
      %parallel_loop3A_68 = arith.constant 0 : i32
      %parallel_loop3A_69 = arith.constant 512 : i32
      %parallel_loop3A_70 = arith.constant 1 : i32
      scf.for %parallel_loop3A_74 = %parallel_loop3A_68 to %parallel_loop3A_69 step %parallel_loop3A_70  : i32 {
        %parallel_loop3A_75 = arith.constant 16 : i32
        %parallel_loop3A_76 = arith.muli %parallel_loop3A_74, %parallel_loop3A_75 : i32
        %parallel_loop3A_77 = arith.index_cast %parallel_loop3A_76 : i32 to index
        %parallel_loop3A_78 = tpu.vector_load %arg8[%parallel_loop3A_77] {strides = array<i32>} : memref<8192xi32, #tpu.memory_space<vmem>>, vector<16xi32>,
        %parallel_loop3A_79 = arith.constant 8191 : i32
        %parallel_loop3A_80 = vector.broadcast %parallel_loop3A_79 : i32 to vector<16xi32>
        %parallel_loop3A_81 = arith.andi %parallel_loop3A_78, %parallel_loop3A_80 : vector<16xi32>
        %parallel_loop3A_82 = arith.constant 13 : i32
        %parallel_loop3A_83 = vector.broadcast %parallel_loop3A_82 : i32 to vector<16xi32>
        %parallel_loop3A_84 = arith.shrsi %parallel_loop3A_78, %parallel_loop3A_83 : vector<16xi32>
        %parallel_loop3A_85 = arith.constant 2 : i32
        %parallel_loop3A_86 = vector.broadcast %parallel_loop3A_85 : i32 to vector<16xi32>
        %parallel_loop3A_87 = arith.subi %parallel_loop3A_84, %parallel_loop3A_86 : vector<16xi32>
        %parallel_loop3A_88 = tpu.vector_load_idx %arg7[%parallel_loop3A_81] : memref<8192xi32, #tpu.memory_space<vmem>>[vector<16xi32>], vector<16xi32>,
        %parallel_loop3A_89 = arith.constant 16 : i32
        %parallel_loop3A_90 = arith.muli %parallel_loop3A_74, %parallel_loop3A_89 : i32
        %parallel_loop3A_91 = arith.index_cast %parallel_loop3A_90 : i32 to index
        %parallel_loop3A_92 = tpu.vector_load %arg10[%parallel_loop3A_91] {strides = array<i32>} : memref<8192xi32, #tpu.memory_space<vmem>>, vector<16xi32>,
        %parallel_loop3A_93 = vector.broadcast %parallel_loop3A_74 : i32 to vector<16xi32>
        %parallel_loop3A_94 = tpu.vector_load_idx %arg11[%parallel_loop3A_93] : memref<512xi32, #tpu.memory_space<vmem>>[vector<16xi32>], vector<16xi32>,
        %parallel_loop3A_95 = arith.addi %parallel_loop3A_92, %parallel_loop3A_94 : vector<16xi32>
        %parallel_loop3A_96 = arith.constant 2 : i32
        %parallel_loop3A_97 = vector.broadcast %parallel_loop3A_96 : i32 to vector<16xi32>
        %parallel_loop3A_98 = arith.cmpi sgt, %parallel_loop3A_88, %parallel_loop3A_97 : vector<16xi32>
        %parallel_loop3A_99 = vector.broadcast %reduce_sum3A_67 : i32 to vector<16xi32>
        %parallel_loop3A_100 = arith.cmpi sle, %parallel_loop3A_95, %parallel_loop3A_99 : vector<16xi32>
        %parallel_loop3A_101 = arith.andi %parallel_loop3A_98, %parallel_loop3A_100 : vector<16xi1>
        %parallel_loop3A_102 = arith.constant 0 : i32
        %parallel_loop3A_103 = vector.broadcast %parallel_loop3A_102 : i32 to vector<16xi32>
        %parallel_loop3A_104 = arith.cmpi sge, %parallel_loop3A_87, %parallel_loop3A_103 : vector<16xi32>
        %parallel_loop3A_105 = arith.constant -2 : i32
        %parallel_loop3A_106 = vector.broadcast %parallel_loop3A_105 : i32 to vector<16xi32>
        %parallel_loop3A_107 = arith.cmpi eq, %parallel_loop3A_87, %parallel_loop3A_106 : vector<16xi32>
        %parallel_loop3A_108 = arith.andi %parallel_loop3A_107, %parallel_loop3A_101 : vector<16xi1>
        %parallel_loop3A_109 = arith.constant 2 : i32
        %parallel_loop3A_110 = vector.broadcast %parallel_loop3A_109 : i32 to vector<16xi32>
        %parallel_loop3A_111 = arith.select %parallel_loop3A_108, %parallel_loop3A_110, %parallel_loop3A_88 : vector<16xi1>, vector<16xi32>
        %parallel_loop3A_112 = arith.select %parallel_loop3A_104, %parallel_loop3A_87, %parallel_loop3A_111 : vector<16xi1>, vector<16xi32>
        %parallel_loop3A_113 = arith.constant 0 : i32
        %parallel_loop3A_114 = vector.broadcast %parallel_loop3A_113 : i32 to vector<16xi32>
        %parallel_loop3A_115 = arith.select %parallel_loop3A_101, %parallel_loop3A_88, %parallel_loop3A_114 : vector<16xi1>, vector<16xi32>
        tpu.vector_store_idx %arg14[%parallel_loop3A_81], %parallel_loop3A_112 : memref<8192xi32, #tpu.memory_space<vmem>>[vector<16xi32>], vector<16xi32>,
        tpu.vector_store_idx %arg15[%parallel_loop3A_81], %parallel_loop3A_115 : memref<8192xi32, #tpu.memory_space<vmem>>[vector<16xi32>], vector<16xi32>,
      } {sc.loop_unroll_factor = 4 : i64, sc.parallel_access}
      %gt3A = arith.cmpi sgt, %reduce_sum3A_67, %while3A_40 : i32
      %convert_element_type3A_71 = arith.extui %gt3A : i1 to i32
      %cond3A_72 = arith.constant 0 : i32
      %cond3A_73 = arith.cmpi ne, %convert_element_type3A_71, %cond3A_72 : i32
      scf.if %cond3A_73 {
        "tpu.region"() ({
          %run_scoped3A = tpu.sem_alloc : memref<!tpu.dma_semaphore, #tpu.memory_space<semaphore_mem>>
          %dma_start3A_87 = arith.constant 0 : i32
          %dma_start3A_88 = tpu.memref_slice %arg4[%arg1, %dma_start3A_87] : memref<4x8192xi32, #tpu.memory_space<hbm>> -> memref<1x8192xi32, #tpu.memory_space<hbm>>
          %dma_start3A_89 = tpu.memref_squeeze %dma_start3A_88 : memref<1x8192xi32, #tpu.memory_space<hbm>> -> memref<8192xi32, #tpu.memory_space<hbm>>
          %dma_start3A_90 = arith.constant 0 : i32
          %dma_start3A_91 = tpu.memref_slice %arg4[%arg1, %dma_start3A_90] : memref<4x8192xi32, #tpu.memory_space<hbm>> -> memref<1x8192xi32, #tpu.memory_space<hbm>>
          %dma_start3A_92 = tpu.memref_squeeze %dma_start3A_91 : memref<1x8192xi32, #tpu.memory_space<hbm>> -> memref<8192xi32, #tpu.memory_space<hbm>>
          tpu.enqueue_dma source(%dma_start3A_92 : memref<8192xi32, #tpu.memory_space<hbm>>) target(%arg9 : memref<8192xi32, #tpu.memory_space<vmem>>) target_semaphore(%run_scoped3A : memref<!tpu.dma_semaphore, #tpu.memory_space<semaphore_mem>>)
          %dma_wait3A_93 = arith.constant 0 : i32
          %dma_wait3A_94 = tpu.memref_slice %arg4[%arg1, %dma_wait3A_93] : memref<4x8192xi32, #tpu.memory_space<hbm>> -> memref<1x8192xi32, #tpu.memory_space<hbm>>
          %dma_wait3A_95 = tpu.memref_squeeze %dma_wait3A_94 : memref<1x8192xi32, #tpu.memory_space<hbm>> -> memref<8192xi32, #tpu.memory_space<hbm>>
          %dma_wait3A_96 = arith.constant 0 : i32
          %dma_wait3A_97 = tpu.memref_slice %arg4[%arg1, %dma_wait3A_96] : memref<4x8192xi32, #tpu.memory_space<hbm>> -> memref<1x8192xi32, #tpu.memory_space<hbm>>
          %dma_wait3A_98 = tpu.memref_squeeze %dma_wait3A_97 : memref<1x8192xi32, #tpu.memory_space<hbm>> -> memref<8192xi32, #tpu.memory_space<hbm>>
          tpu.wait_dma2 semaphore(%run_scoped3A : memref<!tpu.dma_semaphore, #tpu.memory_space<semaphore_mem>>) src(%dma_wait3A_98 : memref<8192xi32, #tpu.memory_space<hbm>>) dst(%arg9 : memref<8192xi32, #tpu.memory_space<vmem>>)
          tpu.yield
        }) : () -> ()
        %while3A_74 = arith.constant 0 : i32
        %while3A_75 = arith.constant 512 : i32
        %while3A_76 = arith.constant 0 : i32
        %while3A_77 = arith.subi %while3A_75, %while3A_74 : i32
        %while3A_78 = arith.addi %while3A_74, %while3A_77 : i32
        %while3A_79 = arith.constant 1 : i32
        %while3A_80 = arith.divsi %while3A_77, %while3A_79 : i32
        %while3A_81 = arith.muli %while3A_80, %while3A_79 : i32
        %while3A_82 = arith.addi %while3A_74, %while3A_81 : i32
        %while3A_83 = arith.constant 1 : i32
        %while3A_84 = scf.for %while3A_87 = %while3A_74 to %while3A_82 step %while3A_83 iter_args(%while3A_88 = %while3A_76) -> (i32)  : i32 {
          %mul3A_89 = arith.constant 16 : i32
          %mul3A_90 = arith.muli %while3A_87, %mul3A_89 : i32
          %get3A = arith.index_cast %mul3A_90 : i32 to index
          %get3A_91 = tpu.vector_load %arg7[%get3A] {strides = array<i32>} : memref<8192xi32, #tpu.memory_space<vmem>>, vector<16xi32>,
          %gt3A_92 = arith.constant 2 : i32
          %gt3A_93 = vector.broadcast %gt3A_92 : i32 to vector<16xi32>
          %gt3A_94 = arith.cmpi sgt, %get3A_91, %gt3A_93 : vector<16xi32>
          %jit3A_95 = arith.constant 0 : i32
          %jit3A_96 = arith.constant 1 : i32
          %broadcast_in_dim3A_97 = vector.broadcast %jit3A_95 : i32 to vector<16xi32>
          %broadcast_in_dim3A_98 = vector.broadcast %jit3A_96 : i32 to vector<16xi32>
          %select_n3A_99 = arith.select %gt3A_94, %broadcast_in_dim3A_97, %broadcast_in_dim3A_98 : vector<16xi1>, vector<16xi32>
          %cumsum3A = arith.constant true
          %cumsum3A_100 = vector.broadcast %cumsum3A : i1 to vector<16xi1>
          %cumsum3A_101 = tpu.scan <sum>, %select_n3A_99 masked %cumsum3A_100 : vector<16xi32>, vector<16xi1> -> vector<16xi32>
          %add3A_102 = vector.broadcast %while3A_88 : i32 to vector<16xi32>
          %add3A_103 = arith.addi %cumsum3A_101, %add3A_102 : vector<16xi32>
          %gt3A_104 = arith.constant 0 : i32
          %gt3A_105 = vector.broadcast %gt3A_104 : i32 to vector<16xi32>
          %gt3A_106 = arith.cmpi sgt, %select_n3A_99, %gt3A_105 : vector<16xi32>
          %add3A_107 = vector.broadcast %while3A_40 : i32 to vector<16xi32>
          %add3A_108 = arith.addi %add3A_107, %add3A_103 : vector<16xi32>
          %le3A = vector.broadcast %reduce_sum3A_67 : i32 to vector<16xi32>
          %le3A_109 = arith.cmpi sle, %add3A_108, %le3A : vector<16xi32>
          %and3A = arith.andi %gt3A_106, %le3A_109 : vector<16xi1>
          %mul3A_110 = arith.constant 16 : i32
          %mul3A_111 = arith.muli %while3A_87, %mul3A_110 : i32
          %get3A_112 = arith.index_cast %mul3A_111 : i32 to index
          %get3A_113 = tpu.vector_load %arg9[%get3A_112] {strides = array<i32>} : memref<8192xi32, #tpu.memory_space<vmem>>, vector<16xi32>,
          %eq3A = arith.constant -2 : i32
          %eq3A_114 = vector.broadcast %eq3A : i32 to vector<16xi32>
          %eq3A_115 = arith.cmpi eq, %get3A_113, %eq3A_114 : vector<16xi32>
          %and3A_116 = arith.andi %and3A, %eq3A_115 : vector<16xi1>
          %mul3A_117 = arith.constant 16 : i32
          %mul3A_118 = arith.muli %while3A_87, %mul3A_117 : i32
          %get3A_119 = arith.index_cast %mul3A_118 : i32 to index
          %get3A_120 = tpu.vector_load %arg14[%get3A_119] {strides = array<i32>} : memref<8192xi32, #tpu.memory_space<vmem>>, vector<16xi32>,
          %jit3A_121 = arith.constant 2 : i32
          %broadcast_in_dim3A_122 = vector.broadcast %jit3A_121 : i32 to vector<16xi32>
          %select_n3A_123 = arith.select %and3A_116, %broadcast_in_dim3A_122, %get3A_120 : vector<16xi1>, vector<16xi32>
          %mul3A_124 = arith.constant 16 : i32
          %mul3A_125 = arith.muli %while3A_87, %mul3A_124 : i32
          %swap3A = arith.index_cast %mul3A_125 : i32 to index
          %swap3A_126 = tpu.vector_load %arg14[%swap3A] {strides = array<i32>} : memref<8192xi32, #tpu.memory_space<vmem>>, vector<16xi32>,
          tpu.vector_store %arg14[%swap3A], %select_n3A_123 {strides = array<i32>} : memref<8192xi32, #tpu.memory_space<vmem>>, vector<16xi32>,
          %mul3A_127 = arith.constant 16 : i32
          %mul3A_128 = arith.muli %while3A_87, %mul3A_127 : i32
          %get3A_129 = arith.index_cast %mul3A_128 : i32 to index
          %get3A_130 = tpu.vector_load %arg15[%get3A_129] {strides = array<i32>} : memref<8192xi32, #tpu.memory_space<vmem>>, vector<16xi32>,
          %select_n3A_131 = arith.select %and3A, %get3A_91, %get3A_130 : vector<16xi1>, vector<16xi32>
          %mul3A_132 = arith.constant 16 : i32
          %mul3A_133 = arith.muli %while3A_87, %mul3A_132 : i32
          %swap3A_134 = arith.index_cast %mul3A_133 : i32 to index
          %swap3A_135 = tpu.vector_load %arg15[%swap3A_134] {strides = array<i32>} : memref<8192xi32, #tpu.memory_space<vmem>>, vector<16xi32>,
          tpu.vector_store %arg15[%swap3A_134], %select_n3A_131 {strides = array<i32>} : memref<8192xi32, #tpu.memory_space<vmem>>, vector<16xi32>,
          %reduce_sum3A_136 = arith.constant true
          %reduce_sum3A_137 = vector.broadcast %reduce_sum3A_136 : i1 to vector<16xi1>
          %reduce_sum3A_138 = tpu.scan <sum>, %select_n3A_99 masked %reduce_sum3A_137 : vector<16xi32>, vector<16xi1> -> vector<16xi32>
          %reduce_sum3A_139 = vector.extract %reduce_sum3A_138[15] : i32 from vector<16xi32>
          %add3A_140 = arith.addi %while3A_88, %reduce_sum3A_139 : i32
          scf.yield %add3A_140 : i32
        }
        %while3A_85 = arith.constant 1 : i32
        %while3A_86 = scf.for %while3A_87 = %while3A_82 to %while3A_78 step %while3A_85 iter_args(%while3A_88 = %while3A_84) -> (i32)  : i32 {
          %mul3A_89 = arith.constant 16 : i32
          %mul3A_90 = arith.muli %while3A_87, %mul3A_89 : i32
          %get3A = arith.index_cast %mul3A_90 : i32 to index
          %get3A_91 = tpu.vector_load %arg7[%get3A] {strides = array<i32>} : memref<8192xi32, #tpu.memory_space<vmem>>, vector<16xi32>,
          %gt3A_92 = arith.constant 2 : i32
          %gt3A_93 = vector.broadcast %gt3A_92 : i32 to vector<16xi32>
          %gt3A_94 = arith.cmpi sgt, %get3A_91, %gt3A_93 : vector<16xi32>
          %jit3A_95 = arith.constant 0 : i32
          %jit3A_96 = arith.constant 1 : i32
          %broadcast_in_dim3A_97 = vector.broadcast %jit3A_95 : i32 to vector<16xi32>
          %broadcast_in_dim3A_98 = vector.broadcast %jit3A_96 : i32 to vector<16xi32>
          %select_n3A_99 = arith.select %gt3A_94, %broadcast_in_dim3A_97, %broadcast_in_dim3A_98 : vector<16xi1>, vector<16xi32>
          %cumsum3A = arith.constant true
          %cumsum3A_100 = vector.broadcast %cumsum3A : i1 to vector<16xi1>
          %cumsum3A_101 = tpu.scan <sum>, %select_n3A_99 masked %cumsum3A_100 : vector<16xi32>, vector<16xi1> -> vector<16xi32>
          %add3A_102 = vector.broadcast %while3A_88 : i32 to vector<16xi32>
          %add3A_103 = arith.addi %cumsum3A_101, %add3A_102 : vector<16xi32>
          %gt3A_104 = arith.constant 0 : i32
          %gt3A_105 = vector.broadcast %gt3A_104 : i32 to vector<16xi32>
          %gt3A_106 = arith.cmpi sgt, %select_n3A_99, %gt3A_105 : vector<16xi32>
          %add3A_107 = vector.broadcast %while3A_40 : i32 to vector<16xi32>
          %add3A_108 = arith.addi %add3A_107, %add3A_103 : vector<16xi32>
          %le3A = vector.broadcast %reduce_sum3A_67 : i32 to vector<16xi32>
          %le3A_109 = arith.cmpi sle, %add3A_108, %le3A : vector<16xi32>
          %and3A = arith.andi %gt3A_106, %le3A_109 : vector<16xi1>
          %mul3A_110 = arith.constant 16 : i32
          %mul3A_111 = arith.muli %while3A_87, %mul3A_110 : i32
          %get3A_112 = arith.index_cast %mul3A_111 : i32 to index
          %get3A_113 = tpu.vector_load %arg9[%get3A_112] {strides = array<i32>} : memref<8192xi32, #tpu.memory_space<vmem>>, vector<16xi32>,
          %eq3A = arith.constant -2 : i32
          %eq3A_114 = vector.broadcast %eq3A : i32 to vector<16xi32>
          %eq3A_115 = arith.cmpi eq, %get3A_113, %eq3A_114 : vector<16xi32>
          %and3A_116 = arith.andi %and3A, %eq3A_115 : vector<16xi1>
          %mul3A_117 = arith.constant 16 : i32
          %mul3A_118 = arith.muli %while3A_87, %mul3A_117 : i32
          %get3A_119 = arith.index_cast %mul3A_118 : i32 to index
          %get3A_120 = tpu.vector_load %arg14[%get3A_119] {strides = array<i32>} : memref<8192xi32, #tpu.memory_space<vmem>>, vector<16xi32>,
          %jit3A_121 = arith.constant 2 : i32
          %broadcast_in_dim3A_122 = vector.broadcast %jit3A_121 : i32 to vector<16xi32>
          %select_n3A_123 = arith.select %and3A_116, %broadcast_in_dim3A_122, %get3A_120 : vector<16xi1>, vector<16xi32>
          %mul3A_124 = arith.constant 16 : i32
          %mul3A_125 = arith.muli %while3A_87, %mul3A_124 : i32
          %swap3A = arith.index_cast %mul3A_125 : i32 to index
          %swap3A_126 = tpu.vector_load %arg14[%swap3A] {strides = array<i32>} : memref<8192xi32, #tpu.memory_space<vmem>>, vector<16xi32>,
          tpu.vector_store %arg14[%swap3A], %select_n3A_123 {strides = array<i32>} : memref<8192xi32, #tpu.memory_space<vmem>>, vector<16xi32>,
          %mul3A_127 = arith.constant 16 : i32
          %mul3A_128 = arith.muli %while3A_87, %mul3A_127 : i32
          %get3A_129 = arith.index_cast %mul3A_128 : i32 to index
          %get3A_130 = tpu.vector_load %arg15[%get3A_129] {strides = array<i32>} : memref<8192xi32, #tpu.memory_space<vmem>>, vector<16xi32>,
          %select_n3A_131 = arith.select %and3A, %get3A_91, %get3A_130 : vector<16xi1>, vector<16xi32>
          %mul3A_132 = arith.constant 16 : i32
          %mul3A_133 = arith.muli %while3A_87, %mul3A_132 : i32
          %swap3A_134 = arith.index_cast %mul3A_133 : i32 to index
          %swap3A_135 = tpu.vector_load %arg15[%swap3A_134] {strides = array<i32>} : memref<8192xi32, #tpu.memory_space<vmem>>, vector<16xi32>,
          tpu.vector_store %arg15[%swap3A_134], %select_n3A_131 {strides = array<i32>} : memref<8192xi32, #tpu.memory_space<vmem>>, vector<16xi32>,
          %reduce_sum3A_136 = arith.constant true
          %reduce_sum3A_137 = vector.broadcast %reduce_sum3A_136 : i1 to vector<16xi1>
          %reduce_sum3A_138 = tpu.scan <sum>, %select_n3A_99 masked %reduce_sum3A_137 : vector<16xi32>, vector<16xi1> -> vector<16xi32>
          %reduce_sum3A_139 = vector.extract %reduce_sum3A_138[15] : i32 from vector<16xi32>
          %add3A_140 = arith.addi %while3A_88, %reduce_sum3A_139 : i32
          scf.yield %add3A_140 : i32
        }
      } else {
      }
      "tpu.region"() ({
        %run_scoped3A = tpu.sem_alloc : memref<!tpu.dma_semaphore, #tpu.memory_space<semaphore_mem>>
        %dma_start3A_74 = arith.constant 0 : i32
        %dma_start3A_75 = tpu.memref_slice %arg5[%arg1, %dma_start3A_74] : memref<4x8192xi32, #tpu.memory_space<hbm>> -> memref<1x8192xi32, #tpu.memory_space<hbm>>
        %dma_start3A_76 = tpu.memref_squeeze %dma_start3A_75 : memref<1x8192xi32, #tpu.memory_space<hbm>> -> memref<8192xi32, #tpu.memory_space<hbm>>
        %dma_start3A_77 = arith.constant 0 : i32
        %dma_start3A_78 = tpu.memref_slice %arg5[%arg1, %dma_start3A_77] : memref<4x8192xi32, #tpu.memory_space<hbm>> -> memref<1x8192xi32, #tpu.memory_space<hbm>>
        %dma_start3A_79 = tpu.memref_squeeze %dma_start3A_78 : memref<1x8192xi32, #tpu.memory_space<hbm>> -> memref<8192xi32, #tpu.memory_space<hbm>>
        tpu.enqueue_dma source(%arg14 : memref<8192xi32, #tpu.memory_space<vmem>>) target(%dma_start3A_79 : memref<8192xi32, #tpu.memory_space<hbm>>) target_semaphore(%run_scoped3A : memref<!tpu.dma_semaphore, #tpu.memory_space<semaphore_mem>>)
        %dma_wait3A_80 = arith.constant 0 : i32
        %dma_wait3A_81 = tpu.memref_slice %arg5[%arg1, %dma_wait3A_80] : memref<4x8192xi32, #tpu.memory_space<hbm>> -> memref<1x8192xi32, #tpu.memory_space<hbm>>
        %dma_wait3A_82 = tpu.memref_squeeze %dma_wait3A_81 : memref<1x8192xi32, #tpu.memory_space<hbm>> -> memref<8192xi32, #tpu.memory_space<hbm>>
        %dma_wait3A_83 = arith.constant 0 : i32
        %dma_wait3A_84 = tpu.memref_slice %arg5[%arg1, %dma_wait3A_83] : memref<4x8192xi32, #tpu.memory_space<hbm>> -> memref<1x8192xi32, #tpu.memory_space<hbm>>
        %dma_wait3A_85 = tpu.memref_squeeze %dma_wait3A_84 : memref<1x8192xi32, #tpu.memory_space<hbm>> -> memref<8192xi32, #tpu.memory_space<hbm>>
        tpu.wait_dma2 semaphore(%run_scoped3A : memref<!tpu.dma_semaphore, #tpu.memory_space<semaphore_mem>>) src(%arg14 : memref<8192xi32, #tpu.memory_space<vmem>>) dst(%dma_wait3A_85 : memref<8192xi32, #tpu.memory_space<hbm>>)
        tpu.yield
      }) : () -> ()
      "tpu.region"() ({
        %run_scoped3A = tpu.sem_alloc : memref<!tpu.dma_semaphore, #tpu.memory_space<semaphore_mem>>
        %dma_start3A_74 = arith.constant 0 : i32
        %dma_start3A_75 = tpu.memref_slice %arg6[%arg1, %dma_start3A_74] : memref<4x8192xi32, #tpu.memory_space<hbm>> -> memref<1x8192xi32, #tpu.memory_space<hbm>>
        %dma_start3A_76 = tpu.memref_squeeze %dma_start3A_75 : memref<1x8192xi32, #tpu.memory_space<hbm>> -> memref<8192xi32, #tpu.memory_space<hbm>>
        %dma_start3A_77 = arith.constant 0 : i32
        %dma_start3A_78 = tpu.memref_slice %arg6[%arg1, %dma_start3A_77] : memref<4x8192xi32, #tpu.memory_space<hbm>> -> memref<1x8192xi32, #tpu.memory_space<hbm>>
        %dma_start3A_79 = tpu.memref_squeeze %dma_start3A_78 : memref<1x8192xi32, #tpu.memory_space<hbm>> -> memref<8192xi32, #tpu.memory_space<hbm>>
        tpu.enqueue_dma source(%arg15 : memref<8192xi32, #tpu.memory_space<vmem>>) target(%dma_start3A_79 : memref<8192xi32, #tpu.memory_space<hbm>>) target_semaphore(%run_scoped3A : memref<!tpu.dma_semaphore, #tpu.memory_space<semaphore_mem>>)
        %dma_wait3A_80 = arith.constant 0 : i32
        %dma_wait3A_81 = tpu.memref_slice %arg6[%arg1, %dma_wait3A_80] : memref<4x8192xi32, #tpu.memory_space<hbm>> -> memref<1x8192xi32, #tpu.memory_space<hbm>>
        %dma_wait3A_82 = tpu.memref_squeeze %dma_wait3A_81 : memref<1x8192xi32, #tpu.memory_space<hbm>> -> memref<8192xi32, #tpu.memory_space<hbm>>
        %dma_wait3A_83 = arith.constant 0 : i32
        %dma_wait3A_84 = tpu.memref_slice %arg6[%arg1, %dma_wait3A_83] : memref<4x8192xi32, #tpu.memory_space<hbm>> -> memref<1x8192xi32, #tpu.memory_space<hbm>>
        %dma_wait3A_85 = tpu.memref_squeeze %dma_wait3A_84 : memref<1x8192xi32, #tpu.memory_space<hbm>> -> memref<8192xi32, #tpu.memory_space<hbm>>
        tpu.wait_dma2 semaphore(%run_scoped3A : memref<!tpu.dma_semaphore, #tpu.memory_space<semaphore_mem>>) src(%arg15 : memref<8192xi32, #tpu.memory_space<vmem>>) dst(%dma_wait3A_85 : memref<8192xi32, #tpu.memory_space<hbm>>)
        tpu.yield
      }) : () -> ()
    } else {
    }
    return
  }
}

</mosaic_0001>

<sc_bundles>
// kernel: kernel.3.cloned.1.call-start
scs
__scs_entry_jumppad:
0x0: {  	(pc) =	sbr.rel $0x88, $3  }
0x1: {  	(tag) =	ssettag $0x0;
	lr =	simm.s32 $0x1  }
0x2: {  	[smem:$0x3FA0] =	sst lr;
	_ =	strace $0xD0000000  }
0x3: {  	_ = 	snop  }
0x4: {  	_ = 	snop  }
0x5: {  	_ = 	snop  }
0x6: {  	_ = 	snop  }
0x7: {  	_ = 	snop  }
__scs_overlays_trampoline_lowered:
0x8: {  	[smem:$0x3FAF] =	sst s0  }
0x9: {  	[smem:$0x3FB0] =	sst s1  }
0xa: {  	[smem:$0x3FB1] =	sst s2  }
0xb: {  	[smem:$0x3FB2] =	sst s3  }
0xc: {  	[smem:$0x3FB3] =	sst s4  }
0xd: {  	[smem:$0x3FB4] =	sst s5  }
0xe: {  	[smem:$0x3FB5] =	sst s6  }
0xf: {  	[smem:$0x3FB6] =	sst s7  }
0x10: {  	[smem:$0x3FB7] =	sst s8  }
0x11: {  	[smem:$0x3FB8] =	sst s9;
	s0 =	simm.s32 @!p0 $0x0  }
0x12: {  	s1 =	sld [smem:$0x3F9E];
	s0 =	simm.s32 @p0 $0x1  }
0x13: {  	[smem:$0x3FB9] =	sst s0;
	s0 =	simm.s32 @!p1 $0x0  }
0x14: {  	s2 =	sld [smem:$0x3F9D];
	s0 =	simm.s32 @p1 $0x1  }
0x15: {  	[smem:$0x3FBA] =	sst s0;
	s0 =	simm.s32 @!p2 $0x0  }
0x16: {  	s3 =	sld [smem:$0x3FDB];
	s0 =	simm.s32 @p2 $0x1  }
0x17: {  	s4 =	simm.s32 $0x1BF5;
	[smem:$0x3FBC] =	sst s0  }
0x18: {  	s0 =	sld [smem:$0x3F9F];
	_ =	swait.ge [sflag:s4], $0x0  }
0x19: {  	s7 =	sld [smem:$0x3FA0]  }
0x1a: {  	s8 =	sadd.s32 $0xFFFFE003, lr  }
0x1b: {  	s9 =	sadd.s32 $0xFFFFFEF7, lr;
	s5 =	simm.s32 $0xFFFFFFFF;
	p2 =	slt.u32 s8, $0xFFFFF086  }
0x1c: {  	p1 =	slt.u32 s9, $0xF7A;
	s5 =	simm.s32 @!p2 $0x0  }
0x1d: {  	s5 =	simm.s32 @p1 $0x1;
	p0 =	seq.s32 s7, s2  }
0x1e: {  	s7 =	smul.u32 @!p0 $0xF7A, s2;
	p2 =	seq.s32 @!p0 s5, $0x0  }
0x1f: {  	s9 =	smul.u32 $0xF7A, s1;
	s8 =	simm.s32 @!p0 $0x1BF5;
	p2 =	por !p2, p0  }
0x20: {  	[sflag:s8] =	ssyncset.s32 @!p0 $0xFFFFF086;
	s6 =	sadd.s32 @!p0 s3, s7;
	s7 =	simm.s32 @!p0 $0x108  }
0x21: {  	s3 =	sadd.s32 s3, s9;
	s6 =	sadd.s32 @!p0 $0x88, s6;
	s7 =	simm.s32 @p2 $0x1082  }
0x22: {  	[simem:s7], [sflag:s8] =	dma.local @!p0 [hbm:s6], $0xF7A  }
0x23: {  	s9 =	sor.u32 $0xD0000000, s2;
	s6 =	simm.s32 $0x108;
	_ =	swait.ge @!p0 [sflag:s8], $0x0  }
0x24: {  	s3 =	sadd.s32 $0x88, s3;
	s6 =	simm.s32 @!p1 $0x1082;
	[sflag:s4] =	ssyncset.s32 $0xFFFFF086  }
0x25: {  	[simem:s6], [sflag:s4] =	dma.local [hbm:s3], $0xF7A  }
0x26: {  	[smem:$0x3FA0] =	sst s1;
	(tag) =	ssettag s2;
	_ =	strace s9  }
0x27: {  	s1 =	sld [smem:$0x3FB0]  }
0x28: {  	s2 =	sld [smem:$0x3FB1]  }
0x29: {  	s4 =	sld [smem:$0x3FB3]  }
0x2a: {  	p0 =	seq.s32 s5, $0x0;
	s5 =	sld [smem:$0x3FB4]  }
0x2b: {  	s6 =	sld [smem:$0x3FB5]  }
0x2c: {  	s7 =	sld [smem:$0x3FB6]  }
0x2d: {  	s3 =	simm.s32 $0x108;
	s8 =	sld [smem:$0x3FB7]  }
0x2e: {  	s3 =	simm.s32 @!p0 $0x1082;
	s9 =	sld [smem:$0x3FB8]  }
0x2f: {  	lr =	sadd.s32 s0, s3;
	s0 =	sld [smem:$0x3FAF]  }
0x30: {  	s3 =	sld [smem:$0x3FB2]  }
0x31: {  	[smem:$0x3FBB] =	sst s10  }
0x32: {  	s10 =	sld [smem:$0x3FB9];
	_ =	sdelay $0x3  }
0x33: {  	p0 =	seq.s32 s10, $0x1;
	s10 =	sld [smem:$0x3FBB];
	_ =	sdelay $0x3  }
0x34: {  	[smem:$0x3FBB] =	sst s10  }
0x35: {  	s10 =	sld [smem:$0x3FBA];
	_ =	sdelay $0x3  }
0x36: {  	p1 =	seq.s32 s10, $0x1;
	s10 =	sld [smem:$0x3FBB];
	_ =	sdelay $0x3  }
0x37: {  	[smem:$0x3FBB] =	sst s10  }
0x38: {  	s10 =	sld [smem:$0x3FBC]  }
0x39: {  	_ = 	snop;
	(pc) =	sbr.ind lr, $3  }
0x3a: {  	_ = 	snop  }
0x3b: {  	_ = 	snop  }
0x3c: {  	p2 =	seq.s32 s10, $0x1;
	s10 =	sld [smem:$0x3FBB]  }
0x3d: {  	_ =	shalt  }
0x3e: {  	_ =	shalt  }
0x3f: {  	_ =	shalt  }
0x40: {  	_ =	shalt  }
0x41: {  	_ =	shalt  }
0x42: {  	_ =	shalt  }
0x43: {  	_ =	shalt  }
0x44: {  	_ =	shalt  }
0x45: {  	_ =	shalt  }
0x46: {  	_ =	shalt  }
0x47: {  	_ =	shalt  }
0x48: {  	_ =	shalt  }
0x49: {  	_ =	shalt  }
0x4a: {  	_ =	shalt  }
0x4b: {  	_ =	shalt  }
0x4c: {  	_ =	shalt  }
0x4d: {  	_ =	shalt  }
0x4e: {  	_ =	shalt  }
0x4f: {  	_ =	shalt  }
0x50: {  	_ =	shalt  }
0x51: {  	_ =	shalt  }
0x52: {  	_ =	shalt  }
0x53: {  	_ =	shalt  }
0x54: {  	_ =	shalt  }
0x55: {  	_ =	shalt  }
0x56: {  	_ =	shalt  }
0x57: {  	_ =	shalt  }
0x58: {  	_ =	shalt  }
0x59: {  	_ =	shalt  }
0x5a: {  	_ =	shalt  }
0x5b: {  	_ =	shalt  }
0x5c: {  	_ =	shalt  }
0x5d: {  	_ =	shalt  }
0x5e: {  	_ =	shalt  }
0x5f: {  	_ =	shalt  }
0x60: {  	_ =	shalt  }
0x61: {  	_ =	shalt  }
0x62: {  	_ =	shalt  }
0x63: {  	_ =	shalt  }
0x64: {  	_ =	shalt  }
0x65: {  	_ =	shalt  }
0x66: {  	_ =	shalt  }
0x67: {  	_ =	shalt  }
0x68: {  	_ =	shalt  }
0x69: {  	_ =	shalt  }
0x6a: {  	_ =	shalt  }
0x6b: {  	_ =	shalt  }
0x6c: {  	_ =	shalt  }
0x6d: {  	_ =	shalt  }
0x6e: {  	_ =	shalt  }
0x6f: {  	_ =	shalt  }
0x70: {  	_ =	shalt  }
0x71: {  	_ =	shalt  }
0x72: {  	_ =	shalt  }
0x73: {  	_ =	shalt  }
0x74: {  	_ =	shalt  }
0x75: {  	_ =	shalt  }
0x76: {  	_ =	shalt  }
0x77: {  	_ =	shalt  }
0x78: {  	_ =	shalt  }
0x79: {  	_ =	shalt  }
0x7a: {  	_ =	shalt  }
0x7b: {  	_ =	shalt  }
0x7c: {  	_ =	shalt  }
0x7d: {  	_ =	shalt  }
0x7e: {  	_ =	shalt  }
0x7f: {  	_ =	shalt  }
0x80: {  	_ =	shalt  }
0x81: {  	_ =	shalt  }
0x82: {  	_ =	shalt  }
0x83: {  	_ =	shalt  }
0x84: {  	_ =	shalt  }
0x85: {  	_ =	shalt  }
0x86: {  	_ =	shalt  }
0x87: {  	_ =	shalt  }
.Lfunc_end0:
.L_simem_size_0:
called_computation_lowered:
.L_overlay_start_0:
0x88: {  	s0 =	sld [smem:$0x3FD9]  }
0x89: {  	s1 =	sld [smem:$0x3FFE];
	_ =	sdelay $0x3  }
0x8a: {  	s0 =	sadd.s32 s1, s0  }
0x8b: {  	[smem:$0x3FC7] =	sst s0  }
0x8c: {  	_ = 	snop  }
0x8d: {  	s0 =	sld [smem:$0x3FD0];
	_ =	sdelay $0x2  }
0x8e: {  	s13 =	simm.s32 $0xA;
	s2 =	simm.s32 $0x10  }
0x8f: {  	[smem:s2], [sflag:s13] =	dma.local [hbm:s0], $0x1  }
0x90: {  	_ =	swait.eq [sflag:s13], $0x1  }
0x91: {  	[sflag:s13] =	ssyncset.done $0x0  }
0x92: {  	s14 =	sld [smem:$0x10];
	[sflag:s13] =	ssyncadd.s32 $0xFFFFFFFF  }
0x93: {  	s15 =	sld [smem:$0x11];
	(tm) =	ssettm $0x1  }
0x94: {  	s16 =	sld [smem:$0x3FFB];
	_ =	sdelay $0x3  }
0x95: {  	_ =	strace s16  }
0x96: {  	s2 =	sld [smem:$0x3FFC];
	_ =	sdelay $0x3  }
0x97: {  	_ =	strace s2  }
0x98: {  	s2 =	sld [smem:$0x3FFD];
	_ =	sdelay $0x3  }
0x99: {  	_ =	strace s2  }
0x9a: {  	_ =	strace $0x8FFFFFFF  }
0x9b: {  	s17 =	sld [smem:$0x3FDB];
	_ =	sdelay $0x1  }
0x9c: {  	s3 =	simm.s32 $_scs_section_size  }
0x9d: {  	s4 =	simm.s32 $_size__tile_overlayer_lowered;
	s5 =	simm.s32 $_tile_overlayer_lowered  }
0x9e: {  	s20 =	simm.s32 $0x1BFF;
	s19 =	sshll.u32 s5, $0x1;
	s2 =	sadd.s32 s3, s17  }
0x9f: {  	s6 =	simm.s32 $0x0;
	s18 =	sshll.u32 s4, $0x1;
	s4 =	sadd.s32 s19, s2  }
0xa0: {  	[timem:s6], [sflag:s20] =	dma.local [hbm:s4], s18  }
0xa1: {  	_ =	swait.ge [sflag:s20], s18  }
0xa2: {  	s3 =	ssub.s32 $0x0, s18;
	[sflag:s20] =	ssyncset.done $0x0  }
0xa3: {  	[sflag:s20] =	ssyncadd.s32 s3;
	_ =	sdelay $0x1  }
0xa4: {  	s21 =	simm.s32 $0x1B8B  }
0xa5: {  	_ =	swait.ge [sflag:s21], $0x1  }
0xa6: {  	[sflag:s21] =	ssyncset.done $0x0  }
0xa7: {  	s23 =	simm.s32 $0x1B8E;
	s22 =	sld [smem:$0x3FFE];
	[sflag:s21] =	ssyncadd.s32 $0xFFFFFFFF  }
0xa8: {  	s24 =	simm.s32 $execute0_lowered;
	[smem:$0x3FD2] =	sst s23  }
0xa9: {  	s4 =	sshll.u32 s24, $0x1;
	_ =	strace $0x80000046;
	[dreg:$0x1] =	wrdreg $0xFFFFFFFF  }
0xaa: {  	s25 =	simm.s32 $_size_execute0_lowered;
	s2 =	sadd.s32 s2, s4;
	[dreg:$0x0] =	wrdreg $0x0  }
0xab: {  	s4 =	sshll.u32 s25, $0x1;
	[dreg:$0x2] =	wrdreg s2  }
0xac: {  	[dreg:$0x3] =	wrdreg s4  }
0xad: {  	[dreg:$0x4] =	wrdreg $0xC0  }
0xae: {  	_ =	task [dreg:s6], $0x5FFFF  }
0xaf: {  	[dreg:$0x1] =	wrdreg $0xFFFFFFFF  }
0xb0: {  	[dreg:$0x0] =	wrdreg $0x60  }
0xb1: {  	[dreg:$0x2] =	wrdreg s15  }
0xb2: {  	[dreg:$0x3] =	wrdreg s14  }
0xb3: {  	[dreg:$0x4] =	wrdreg s22  }
0xb4: {  	[dreg:$0x5] =	wrdreg $0x9  }
0xb5: {  	_ =	task.clear_ibuf [dreg:s6], $0x6FFFF;
	_ =	strace $0x90000046  }
0xb6: {  	s26 =	simm.s32 $0x9;
	_ =	strace $0x80000048  }
0xb7: {  	_ =	swait.ge [sflag:s26], $0x1  }
0xb8: {  	[sflag:s26] =	ssyncadd.s32 $0xFFFFFFFF  }
0xb9: {  	_ =	strace $0x90000048  }
0xba: {  	_ =	sfence  }
0xbb: {  	s28 =	sld [smem:$0x0];
	_ =	sdelay $0x1  }
0xbc: {  	s29 =	srdreg.scid  }
0xbd: {  	s30 =	sshll.u32 s29, $0xD;
	s31 =	sshrl.u32 s29, $0x2  }
0xbe: {  	s1 =	sand.u32 $0x1, s29;
	s2 =	sand.u32 $0x4000, s30;
	s0 =	sadd.s32 s31, s28  }
0xbf: {  	s1 =	sor.u32 s2, s1;
	s0 =	sshll.u32 s0, $0x11  }
0xc0: {  	s0 =	sor.u32 s0, s1  }
0xc1: {  	s0 =	sadd.s32 $0x8F2B, s0  }
0xc2: {  	[sflag:s0] =	ssyncadd.remote.s32 $0x1  }
0xc3: {  	_ =	sfence.sel $0xFFFF  }
0xc4: {  	[dreg:$0x0] =	wrdreg $0xFFFFFFFF;
	(pc) =	sbr.abs _section_cstart, $3  }
0xc5: {  	[dreg:$0x1] =	wrdreg $0xFFFFFFFF  }
0xc6: {  	_ =	task.clear_ibuf [dreg:s6], $0x2FFFF;
	_ =	strace $0x9FFFFFFF  }
0xc7: {  	(tm) =	ssettm $0x7FFFFFFF  }
tec
execute0_lowered:
.L_overlay_start_1:
0x0: {  	(tag) =	ssettag $0x1  }
0x1: {  	s1 =	stileid.u32  }
0x2: {  	p0 =	sgt.u32 s1, $0x3  }
.Ltmp0:
0x3: {  	s6 =	rddreg [dreg:$0x0];
	(pc) =	sbr.rel @p0 .LBB2_18-.Ltmp0, $4  }
0x4: {  	s4 =	rddreg [dreg:$0x1]  }
0x5: {  	s2 =	rddreg [dreg:$0x2];
	s5 =	simm.s32 $0x0  }
0x6: {  	[smem:$0x7FF] =	sst s5  }
0x7: {  	s0 =	rddreg [dreg:$0x3];
	_ =	strace $0x80000047  }
0x8: {  	s3 =	sshll.u32 s1, $0x4  }
0x9: {  	s7 =	simm.s32 $0x80;
	s8 =	simm.s32 $0x200;
	s6 =	sadd.s32 s6, s3  }
0xa: {  	[tilespmem:s5], [sflag:$0x1] =	stream.strided.gather [hbm4b:s6+s7], $0x2000, s8, s7, $0x38;
	[tilespmem:$0xC780] =	vst v63  }
0xb: {  	s24 =	simm.s32 $0x2000;
	s25 =	simm.s32 $0x1;
	s4 =	sadd.s32 s4, s3  }
0xc: {  	[tilespmem:s24], [sflag:$0x2] =	stream.strided.gather [hbm4b:s4+s7], $0x2000, s8, s7, $0x38;
	[tilespmem:$0xC780] =	vst v63  }
0xd: {  	_ =	swait.ge [sflag:s25], $0x2000  }
0xe: {  	[sflag:s25] =	ssyncset.done $0x0  }
0xf: {  	s26 =	simm.s32 $0x2;
	[sflag:s25] =	ssyncadd.s32 $0xFFFFE000  }
0x10: {  	_ =	swait.ge [sflag:s26], $0x2000  }
0x11: {  	[sflag:s26] =	ssyncset.done $0x0  }
0x12: {  	s28 =	simm.s32 $0x2020;
	[sflag:s26] =	ssyncadd.s32 $0xFFFFE000  }
0x13: {  	v0 =	vld [tilespmem:s28+$0x10];
	_ =	sdelay $0x1  }
0x14: {  	v1 =	vld [tilespmem:s28+$0xFFFFFFF0]  }
0x15: {  	v2 =	vld [tilespmem:s28+$0xFFFFFFE0]  }
0x16: {  	s29 =	simm.s32 $0x2060;
	v3 =	vld [tilespmem:s28+$0x0]  }
0x17: {  	v4 =	vld [tilespmem:s29+$0x10];
	v0 =	vand.u32 $0x1FFF, v0  }
0x18: {  	v5 =	vld [tilespmem:s29+$0xFFFFFFF0]  }
0x19: {  	s30 =	simm.s32 $0x20A0;
	v7 =	vld [tilespmem:s29+$0xFFFFFFE0];
	v1 =	vand.u32 $0x1FFF, v1  }
0x1a: {  	v8 =	vld [tilespmem:s30+$0x10];
	v2 =	vand.u32 $0x1FFF, v2  }
0x1b: {  	v9 =	vld [tilespmem:s30+$0xFFFFFFF0];
	v3 =	vand.u32 $0x1FFF, v3  }
0x1c: {  	v4 =	vand.u32 $0x1FFF, v4;
	v6 =	vld.idx.msk [tilespmem:v0+s5+$0x0], $0xffff  }
0x1d: {  	v5 =	vand.u32 $0x1FFF, v5;
	v0 =	vld [tilespmem:s29+$0x0]  }
0x1e: {  	v1 =	vld.idx.msk [tilespmem:v1+s5+$0x0], $0xffff  }
0x1f: {  	v2 =	vld.idx.msk [tilespmem:v2+s5+$0x0], $0xffff  }
0x20: {  	v7 =	vand.u32 $0x1FFF, v7;
	v3 =	vld.idx.msk [tilespmem:v3+s5+$0x0], $0xffff  }
0x21: {  	v4 =	vld.idx.msk [tilespmem:v4+s5+$0x0], $0xffff  }
0x22: {  	v5 =	vld.idx.msk [tilespmem:v5+s5+$0x0], $0xffff;
	v10 =	vand.u32 $0x1FFF, v0;
	v0 =	vimm.s32 $0x0;
	vm0 =	vgt.s32 v6, $0x2  }
0x23: {  	v6 =	vld [tilespmem:s30+$0x0];
	vm10 =	vgt.s32 v1, $0x2;
	v11 =	vsel vm0, $0x1, v0  }
0x24: {  	v8 =	vand.u32 $0x1FFF, v8;
	v1 =	vld [tilespmem:s30+$0xFFFFFFE0];
	vm1 =	vgt.s32 v2, $0x2;
	v2 =	vsel vm10, $0x1, v0;
	(xrf0) =	vadd.scan.msk.s32 $0xffff, v11  }
0x25: {  	s31 =	simm.s32 $0x20E0;
	vm11 =	vgt.s32 v3, $0x2;
	v3 =	vld.idx.msk [tilespmem:v7+s5+$0x0], $0xffff;
	v11 =	vsel vm1, $0x1, v0;
	(xrf0) =	vadd.scan.msk.s32 $0xffff, v2  }
0x26: {  	v9 =	vand.u32 $0x1FFF, v9;
	(xrf0) =	vadd.scan.msk.s32 $0xffff, v11;
	v11 =	vld [tilespmem:s31+$0xFFFFFFF0]  }
0x27: {  	v2 =	vsel vm11, $0x1, v0;
	v7 =	vld.idx.msk [tilespmem:v10+s5+$0x0], $0xffff  }
0x28: {  	vm12 =	vgt.s32 v4, $0x2;
	(xrf0) =	vadd.scan.msk.s32 $0xffff, v2;
	v10 =	vld [tilespmem:s31+$0x10]  }
0x29: {  	v12 =	vand.u32 $0x1FFF, v1;
	v1 =	vld.idx.msk [tilespmem:v8+s5+$0x0], $0xffff;
	v8 =	vsel vm12, $0x1, v0  }
0x2a: {  	v6 =	vand.u32 $0x1FFF, v6;
	v2 =	vld [tilespmem:s31+$0x0];
	v4, _, _ =	vpop (xrf0);
	(xrf0) =	vadd.scan.msk.s32 $0xffff, v8  }
0x2b: {  	s6 =	simm.s32 $0x6020;
	vm13 =	vgt.s32 v5, $0x2;
	vm14 =	vgt.s32 v3, $0x2;
	v3 =	vld.idx.msk [tilespmem:v9+s5+$0x0], $0xffff  }
0x2c: {  	v9 =	vsel vm14, $0x1, v0;
	v8 =	vsel vm13, $0x1, v0;
	[tilespmem:s6+$0x10] =	vst v4;
	v5, _, _ =	vpop (xrf0);
	v4 =	vld [tilespmem:s31+$0xFFFFFFE0]  }
0x2d: {  	s3 =	sadd.s32 s3, s2;
	(xrf0) =	vadd.scan.msk.s32 $0xffff, v8;
	[tilespmem:s6+$0xFFFFFFF0] =	vst v5;
	v13, _, _ =	vpop (xrf0);
	vm15 =	vgt.s32 v7, $0x2;
	v8 =	vand.u32 $0x1FFF, v10  }
0x2e: {  	s2 =	sadd.s32 $0x1E00, s3;
	s4 =	sadd.s32 $0xE00, s3;
	v5 =	vld.idx.msk [tilespmem:v12+s5+$0x0], $0xffff;
	(xrf0) =	vadd.scan.msk.s32 $0xffff, v9;
	v14, _, _ =	vpop (xrf0);
	v63 =	vsel vm15, $0x1, v0;
	[tilespmem:s6+$0xFFFFFFE0] =	vst v13  }
0x2f: {  	s3 =	sadd.s32 $0x2E00, s3;
	s7 =	simm.s32 $0xC;
	s8 =	simm.s32 $0x2120;
	v7 =	vand.u32 $0x1FFF, v11;
	v6 =	vld.idx.msk [tilespmem:v6+s5+$0x0], $0xffff;
	(xrf0) =	vadd.scan.msk.s32 $0xffff, v63;
	[tilespmem:s6+$0x0] =	vst v14  }
.LBB2_2:
0x30: {  	v9 =	vld [tilespmem:s8+$0x10];
	s7 =	sadd.s32 $0x4, s7;
	v10 =	vand.u32 $0x1FFF, v2;
	vm0 =	vgt.s32 v1, $0x2;
	v1, _, _ =	vpop (xrf0);
	s6 =	sadd.s32 $0x40, s6  }
0x31: {  	v11 =	vld [tilespmem:s8+$0xFFFFFFF0];
	p0 =	slt.u32 s7, $0x1FC;
	v12 =	vand.u32 $0x1FFF, v4;
	v2 =	vsel vm0, $0x1, v0;
	[tilespmem:s6+$0x10] =	vst v1  }
0x32: {  	v1 =	vld.idx.msk [tilespmem:v8+s5+$0x0], $0xffff;
	(xrf0) =	vadd.scan.msk.s32 $0xffff, v2  }
.Ltmp1:
0x33: {  	vm0 =	vgt.s32 v3, $0x2;
	v2 =	vld [tilespmem:s8+$0x0];
	v3, _, _ =	vpop (xrf0);
	(pc) =	sbr.rel @p0 .LBB2_2-.Ltmp1, $4  }
0x34: {  	vm1 =	vgt.s32 v5, $0x2;
	v5 =	vsel vm0, $0x1, v0;
	v4 =	vld [tilespmem:s8+$0xFFFFFFE0];
	[tilespmem:s6+$0xFFFFFFF0] =	vst v3;
	v13, _, _ =	vpop (xrf0)  }
0x35: {  	vm0 =	vgt.s32 v6, $0x2;
	v8 =	vand.u32 $0x1FFF, v9;
	v3 =	vld.idx.msk [tilespmem:v7+s5+$0x0], $0xffff;
	v9 =	vsel vm1, $0x1, v0;
	(xrf0) =	vadd.scan.msk.s32 $0xffff, v5;
	v14, _, _ =	vpop (xrf0)  }
0x36: {  	v7 =	vand.u32 $0x1FFF, v11;
	v5 =	vld.idx.msk [tilespmem:v12+s5+$0x0], $0xffff;
	v11 =	vsel vm0, $0x1, v0;
	(xrf0) =	vadd.scan.msk.s32 $0xffff, v9;
	[tilespmem:s6+$0xFFFFFFE0] =	vst v13  }
0x37: {  	s8 =	sadd.s32 $0x40, s8;
	v6 =	vld.idx.msk [tilespmem:v10+s5+$0x0], $0xffff;
	(xrf0) =	vadd.scan.msk.s32 $0xffff, v11;
	[tilespmem:s6+$0x0] =	vst v14  }
0x38: {  	_ = 	snop  }
0x39: {  	v2 =	vand.u32 $0x1FFF, v2  }
0x3a: {  	v4 =	vand.u32 $0x1FFF, v4;
	_ =	sdelay $0x1  }
0x3b: {  	v8 =	vld.idx.msk [tilespmem:v8+s5+$0x0], $0xffff  }
0x3c: {  	vm0 =	vgt.s32 v1, $0x2;
	v1 =	vld.idx.msk [tilespmem:v7+s5+$0x0], $0xffff  }
0x3d: {  	vm14 =	vgt.s32 v3, $0x2;
	v2 =	vld.idx.msk [tilespmem:v2+s5+$0x0], $0xffff  }
0x3e: {  	v3 =	vld.idx.msk [tilespmem:v4+s5+$0x0], $0xffff;
	v4 =	vsel vm14, $0x1, v0  }
0x3f: {  	v7 =	vsel vm0, $0x1, v0  }
0x40: {  	(xrf0) =	vadd.scan.msk.s32 $0xffff, v7;
	vm1 =	vgt.s32 v5, $0x2;
	vm15 =	vgt.s32 v6, $0x2  }
0x41: {  	s29 =	sadd.s32 $0x40, s6;
	v5 =	vsel vm1, $0x1, v0;
	v6 =	vsel vm15, $0x1, v0;
	(xrf0) =	vadd.scan.msk.s32 $0xffff, v4;
	v4, _, _ =	vpop (xrf0)  }
0x42: {  	vm4 =	vgt.s32 v8, $0x2;
	vm5 =	vgt.s32 v1, $0x2;
	(xrf0) =	vadd.scan.msk.s32 $0xffff, v5;
	[tilespmem:s29+$0x10] =	vst v4;
	v4, _, _ =	vpop (xrf0)  }
0x43: {  	v5 =	vsel vm4, $0x1, v0;
	(xrf0) =	vadd.scan.msk.s32 $0xffff, v6;
	vm7 =	vgt.s32 v2, $0x2;
	v1, _, _ =	vpop (xrf0);
	vm6 =	vgt.s32 v3, $0x2  }
0x44: {  	(xrf0) =	vadd.scan.msk.s32 $0xffff, v5;
	v3 =	vsel vm5, $0x1, v0;
	[tilespmem:s29+$0xFFFFFFE0] =	vst v1;
	v1 =	vsel vm6, $0x1, v0  }
0x45: {  	[tilespmem:s29+$0xFFFFFFF0] =	vst v4;
	v4, _, _ =	vpop (xrf0);
	(xrf0) =	vadd.scan.msk.s32 $0xffff, v3;
	v0 =	vsel vm7, $0x1, v0  }
0x46: {  	s5 =	sadd.s32 $0x40, s29;
	[tilespmem:s29+$0x0] =	vst v4;
	v2, _, _ =	vpop (xrf0);
	(xrf0) =	vadd.scan.msk.s32 $0xffff, v1  }
0x47: {  	[tilespmem:s5+$0x10] =	vst v2;
	v1, _, _ =	vpop (xrf0);
	(xrf0) =	vadd.scan.msk.s32 $0xffff, v0  }
0x48: {  	v0, _, _ =	vpop (xrf0);
	[tilespmem:s5+$0xFFFFFFF0] =	vst v1  }
0x49: {  	v1, _, _ =	vpop (xrf0);
	[tilespmem:s5+$0xFFFFFFE0] =	vst v0  }
0x4a: {  	[tilespmem:s5+$0x0] =	vst v1;
	v0, _, _ =	vpop (xrf0);
	s5 =	sadd.s32 $0x40, s5  }
0x4b: {  	[tilespmem:s5+$0x10] =	vst v0;
	v0, _, _ =	vpop (xrf0)  }
0x4c: {  	[tilespmem:s5+$0xFFFFFFF0] =	vst v0;
	v0, _, _ =	vpop (xrf0)  }
0x4d: {  	v1, _, _ =	vpop (xrf0);
	[tilespmem:s5+$0xFFFFFFE0] =	vst v0  }
0x4e: {  	s30 =	simm.s32 $0x20;
	[tilespmem:s5+$0x0] =	vst v1  }
0x4f: {  	v1 =	vld [tilespmem:s30+$0x10]  }
0x50: {  	v2 =	vld [tilespmem:s30+$0x0]  }
0x51: {  	v3 =	vld [tilespmem:s30+$0xFFFFFFF0];
	_ =	sdelay $0x1  }
0x52: {  	s31 =	simm.s32 $0x60;
	v4 =	vld [tilespmem:s30+$0xFFFFFFE0]  }
0x53: {  	v0 =	vimm.s32 $0x0;
	v6 =	vld [tilespmem:s31+$0xFFFFFFF0];
	vm8 =	vgt.s32 v1, $0x2  }
0x54: {  	v1 =	vld [tilespmem:s31+$0x10];
	vm9 =	vgt.s32 v2, $0x2;
	v2 =	vsel vm8, $0x1, v0  }
0x55: {  	v5 =	vld [tilespmem:s31+$0x0];
	vm10 =	vgt.s32 v3, $0x2;
	v3 =	vsel vm9, $0x1, v0;
	(xrf0) =	vadd.scan.msk.s32 $0xffff, v2  }
0x56: {  	v2 =	vsel vm10, $0x1, v0;
	(xrf0) =	vadd.scan.msk.s32 $0xffff, v3  }
0x57: {  	v7 =	vld [tilespmem:s31+$0xFFFFFFE0];
	vm11 =	vgt.s32 v4, $0x2;
	(xrf0) =	vadd.scan.msk.s32 $0xffff, v2  }
0x58: {  	v2 =	vsel vm11, $0x1, v0  }
0x59: {  	s6 =	simm.s32 $0xA0;
	vm14 =	vgt.s32 v6, $0x2;
	vm12 =	vgt.s32 v1, $0x2;
	(xrf0) =	vadd.scan.msk.s32 $0xffff, v2  }
0x5a: {  	vm13 =	vgt.s32 v5, $0x2;
	v6 =	vsel vm14, $0x1, v0;
	v1 =	vld [tilespmem:s6+$0xFFFFFFE0];
	v3 =	vsel vm12, $0x1, v0  }
0x5b: {  	s5 =	simm.s32 $0x8220;
	v4 =	vsel vm13, $0x1, v0;
	v2 =	vld [tilespmem:s6+$0x10];
	(xrf0) =	vadd.scan.msk.s32 $0xffff, v3;
	v5, _, _ =	vpop (xrf0)  }
0x5c: {  	vm15 =	vgt.s32 v7, $0x2;
	v3 =	vld [tilespmem:s6+$0x0];
	(xrf0) =	vadd.scan.msk.s32 $0xffff, v4;
	[tilespmem:s5+$0x10] =	vst v5;
	v7, _, _ =	vpop (xrf0)  }
0x5d: {  	s8 =	simm.s32 $0x8;
	s7 =	simm.s32 $0x8220;
	v4 =	vld [tilespmem:s6+$0xFFFFFFF0];
	v5 =	vsel vm15, $0x1, v0;
	(xrf0) =	vadd.scan.msk.s32 $0xffff, v6;
	[tilespmem:s5+$0x0] =	vst v7;
	v6, _, _ =	vpop (xrf0)  }
.LBB2_4:
0x5e: {  	s8 =	sadd.s32 $0x4, s8  }
0x5f: {  	s6 =	sadd.s32 $0x40, s6;
	(xrf0) =	vadd.scan.msk.s32 $0xffff, v5;
	[tilespmem:s5+$0xFFFFFFF0] =	vst v6;
	s7 =	sadd.s32 $0x40, s7;
	v5, _, _ =	vpop (xrf0);
	v6 =	vmov v1;
	p0 =	slt.u32 s8, $0x4C  }
.Ltmp2:
0x60: {  	v1 =	vld [tilespmem:s6+$0xFFFFFFE0];
	vm0 =	vgt.s32 v2, $0x2;
	[tilespmem:s5+$0xFFFFFFE0] =	vst v5;
	s5 =	smov.u32 s7;
	(pc) =	sbr.rel @p0 .LBB2_4-.Ltmp2, $4  }
0x61: {  	v2 =	vld [tilespmem:s6+$0x10];
	vm1 =	vgt.s32 v3, $0x2;
	v5 =	vsel vm0, $0x1, v0  }
0x62: {  	vm0 =	vgt.s32 v6, $0x2;
	v3 =	vld [tilespmem:s6+$0x0];
	vm2 =	vgt.s32 v4, $0x2;
	v9 =	vsel vm1, $0x1, v0;
	(xrf0) =	vadd.scan.msk.s32 $0xffff, v5;
	v7, _, _ =	vpop (xrf0)  }
0x63: {  	v5 =	vsel vm0, $0x1, v0;
	v4 =	vld [tilespmem:s6+$0xFFFFFFF0];
	v8 =	vsel vm2, $0x1, v0;
	(xrf0) =	vadd.scan.msk.s32 $0xffff, v9;
	[tilespmem:s7+$0x10] =	vst v7;
	v6, _, _ =	vpop (xrf0)  }
0x64: {  	(xrf0) =	vadd.scan.msk.s32 $0xffff, v8;
	[tilespmem:s7+$0x0] =	vst v6;
	v6, _, _ =	vpop (xrf0)  }
0x65: {  	_ = 	snop  }
0x66: {  	vm0 =	vgt.s32 v2, $0x2  }
0x67: {  	v2 =	vsel vm0, $0x1, v0  }
0x68: {  	(xrf0) =	vadd.scan.msk.s32 $0xffff, v5;
	vm1 =	vgt.s32 v3, $0x2  }
0x69: {  	vm14 =	vgt.s32 v4, $0x2;
	v3 =	vsel vm1, $0x1, v0;
	(xrf0) =	vadd.scan.msk.s32 $0xffff, v2  }
0x6a: {  	vm15 =	vgt.s32 v1, $0x2;
	v1 =	vsel vm14, $0x1, v0;
	v2, _, _ =	vpop (xrf0);
	(xrf0) =	vadd.scan.msk.s32 $0xffff, v3  }
0x6b: {  	[tilespmem:s5+$0xFFFFFFE0] =	vst v2;
	v2, _, _ =	vpop (xrf0);
	(xrf0) =	vadd.scan.msk.s32 $0xffff, v1;
	v1 =	vlaneseq.u32  }
0x6c: {  	[tilespmem:s5+$0xFFFFFFF0] =	vst v6;
	s6 =	sadd.s32 $0x40, s7;
	v0 =	vsel vm15, $0x1, v0  }
0x6d: {  	[tilespmem:s6+$0x10] =	vst v2;
	v2, _, _ =	vpop (xrf0);
	(xrf0) =	vadd.scan.msk.s32 $0xffff, v0;
	v0 =	vmul.u32 $0x10, v1  }
0x6e: {  	[tilespmem:s6+$0x0] =	vst v2;
	v1, _, _ =	vpop (xrf0)  }
0x6f: {  	s28 =	simm.s32 $0x0;
	v0 =	vor.u32 $0xF, v0;
	[tilespmem:s6+$0xFFFFFFF0] =	vst v1;
	v1, _, _ =	vpop (xrf0)  }
0x70: {  	s29 =	sadd.s32 $0x40, s6;
	v2 =	vor.u32 s28, v0;
	[tilespmem:s6+$0xFFFFFFE0] =	vst v1;
	v1, _, _ =	vpop (xrf0)  }
0x71: {  	[tilespmem:s29+$0x10] =	vst v1;
	v1, _, _ =	vpop (xrf0)  }
0x72: {  	[tilespmem:s29+$0x0] =	vst v1;
	v1, _, _ =	vpop (xrf0)  }
0x73: {  	[tilespmem:s29+$0xFFFFFFF0] =	vst v1;
	v1, _, _ =	vpop (xrf0)  }
0x74: {  	s5 =	simm.s32 $0x6000;
	[tilespmem:s29+$0xFFFFFFE0] =	vst v1  }
0x75: {  	v1 =	vld.idx.msk [tilespmem:v2+s5+$0x0], $0xffff;
	_ =	sdelay $0x4  }
0x76: {  	(xrf0) =	vadd.scan.msk.s32 $0xffff, v1;
	_ =	sdelay $0x5  }
0x77: {  	s30 =	simm.s32 $0x100;
	v2, _, _ =	vpop (xrf0)  }
0x78: {  	v3 =	vor.u32 s30, v0;
	(v2sf) =	vpush v2, $0xF;
	_ =	sdelay $0x1  }
0x79: {  	v1 =	vsub.s32 s28, v1  }
0x7a: {  	s7 =	simm.s32 $0x8000;
	v1 =	vadd.s32 v2, v1  }
0x7b: {  	[tilespmem:s7+$0x0] =	vst v1  }
0x7c: {  	v1 =	vld.idx.msk [tilespmem:v3+s5+$0x0], $0xffff;
	_ =	sdelay $0x4  }
0x7d: {  	(xrf0) =	vadd.scan.msk.s32 $0xffff, v1;
	_ =	sdelay $0x4  }
0x7e: {  	s31 =	simm.s32 $0x200;
	s9 =	spop (v2sf)  }
0x7f: {  	s8 =	simm.s32 $0x300;
	v2 =	vor.u32 s31, v0;
	v3, _, _ =	vpop (xrf0);
	s6 =	sadd.s32 $0x0, s9  }
.LBB2_6:
0x80: {  	p0 =	sne.s32 s8, $0x1F00;
	v1 =	vsub.s32 s6, v1;
	(v2sf) =	vpush v3, $0xF  }
0x81: {  	s7 =	sadd.s32 $0x10, s7;
	v1 =	vadd.s32 v3, v1  }
0x82: {  	[tilespmem:s7+$0x0] =	vst v1;
	_ =	sdelay $0x1  }
0x83: {  	v1 =	vld.idx.msk [tilespmem:v2+s5+$0x0], $0xffff;
	_ =	sdelay $0x5  }
0x84: {  	(xrf0) =	vadd.scan.msk.s32 $0xffff, v1;
	_ =	sdelay $0x1  }
.Ltmp3:
0x85: {  	(pc) =	sbr.rel @p0 .LBB2_6-.Ltmp3, $3  }
0x86: {  	_ =	sdelay $0x1  }
0x87: {  	s9 =	spop (v2sf)  }
0x88: {  	v2 =	vor.u32 s8, v0;
	s8 =	sadd.s32 $0x100, s8;
	v3, _, _ =	vpop (xrf0);
	s6 =	sadd.s32 s6, s9  }
0x89: {  	(v2sf) =	vpush v3, $0xF;
	_ =	sdelay $0x2  }
0x8a: {  	v0 =	vsub.s32 s6, v1  }
0x8b: {  	s7 =	sadd.s32 $0x10, s7;
	v0 =	vadd.s32 v3, v0  }
0x8c: {  	[tilespmem:s7+$0x0] =	vst v0  }
0x8d: {  	v1 =	vld.idx.msk [tilespmem:v2+s5+$0x0], $0xffff;
	_ =	sdelay $0x4  }
0x8e: {  	v0 =	vlaneseq.u32;
	(xrf0) =	vadd.scan.msk.s32 $0xffff, v1  }
0x8f: {  	v0 =	vmul.u32 $0x10, v0;
	_ =	sdelay $0x1  }
0x90: {  	s28 =	simm.s32 $0x0;
	v0 =	vor.u32 $0xF, v0  }
0x91: {  	v2 =	vor.u32 s28, v0;
	s8 =	spop (v2sf)  }
0x92: {  	s8 =	sadd.s32 s6, s8  }
0x93: {  	v3, _, _ =	vpop (xrf0);
	v1 =	vsub.s32 s8, v1  }
0x94: {  	s29 =	sadd.s32 $0x10, s7;
	v1 =	vadd.s32 v3, v1  }
0x95: {  	s6 =	simm.s32 $0x8200;
	[tilespmem:s29+$0x0] =	vst v1  }
0x96: {  	v1 =	vld.idx.msk [tilespmem:v2+s6+$0x0], $0xffff;
	_ =	sdelay $0x4  }
0x97: {  	(xrf0) =	vadd.scan.msk.s32 $0xffff, v1;
	_ =	sdelay $0x5  }
0x98: {  	s30 =	simm.s32 $0x100;
	(v2sf) =	vpush v3, $0xF;
	v2, _, _ =	vpop (xrf0)  }
0x99: {  	v3 =	vor.u32 s30, v0;
	(v2sf) =	vpush v2, $0xF;
	_ =	sdelay $0x1  }
0x9a: {  	v1 =	vsub.s32 s28, v1  }
0x9b: {  	s7 =	simm.s32 $0x8700;
	v1 =	vadd.s32 v2, v1  }
0x9c: {  	[tilespmem:s7+$0x0] =	vst v1  }
0x9d: {  	v1 =	vld.idx.msk [tilespmem:v3+s6+$0x0], $0xffff;
	_ =	sdelay $0x4  }
0x9e: {  	(xrf0) =	vadd.scan.msk.s32 $0xffff, v1;
	_ =	sdelay $0x3  }
0x9f: {  	s31 =	spop (v2sf)  }
0xa0: {  	s9 =	simm.s32 $0x200;
	s10 =	spop (v2sf)  }
0xa1: {  	s5 =	sadd.s32 s8, s31;
	v2 =	vor.u32 s9, v0;
	s9 =	simm.s32 $0x300;
	v3, _, _ =	vpop (xrf0);
	s8 =	sadd.s32 $0x0, s10  }
.LBB2_8:
0xa2: {  	p0 =	sne.s32 s9, $0x400;
	v1 =	vsub.s32 s8, v1;
	(v2sf) =	vpush v3, $0xF  }
0xa3: {  	s7 =	sadd.s32 $0x10, s7;
	v1 =	vadd.s32 v3, v1  }
0xa4: {  	[tilespmem:s7+$0x0] =	vst v1;
	_ =	sdelay $0x1  }
0xa5: {  	v1 =	vld.idx.msk [tilespmem:v2+s6+$0x0], $0xffff;
	_ =	sdelay $0x5  }
0xa6: {  	(xrf0) =	vadd.scan.msk.s32 $0xffff, v1;
	_ =	sdelay $0x1  }
.Ltmp4:
0xa7: {  	(pc) =	sbr.rel @p0 .LBB2_8-.Ltmp4, $3  }
0xa8: {  	_ =	sdelay $0x1  }
0xa9: {  	s10 =	spop (v2sf)  }
0xaa: {  	v2 =	vor.u32 s9, v0;
	s9 =	sadd.s32 $0x100, s9;
	v3, _, _ =	vpop (xrf0);
	s8 =	sadd.s32 s8, s10  }
0xab: {  	_ = 	snop  }
0xac: {  	v0 =	vsub.s32 s8, v1;
	(v2sf) =	vpush v3, $0xF  }
0xad: {  	s7 =	sadd.s32 $0x10, s7;
	v0 =	vadd.s32 v3, v0  }
0xae: {  	[tilespmem:s7+$0x0] =	vst v0  }
0xaf: {  	v0 =	vld.idx.msk [tilespmem:v2+s6+$0x0], $0xffff;
	_ =	sdelay $0x4  }
0xb0: {  	(xrf0) =	vadd.scan.msk.s32 $0xffff, v0;
	_ =	sdelay $0x5  }
0xb1: {  	v1, _, _ =	vpop (xrf0)  }
0xb2: {  	s18 =	scvt.s32.f32 s5;
	s11 =	simm.s32 $0x2;
	(v2sf) =	vpush v1, $0xF;
	s19 =	spop (v2sf)  }
0xb3: {  	v2 =	vmov s11;
	s6 =	sadd.s32 s8, s19  }
0xb4: {  	s21 =	simm.s32 $0x3;
	s9 =	smul.f32 $1.500000060e-01, s18;
	v2 =	vand.u32 $0xFFFFFFFE, v2;
	v0 =	vsub.s32 s6, v0;
	s6 =	simm.s32 $0x0  }
0xb5: {  	s12 =	simm.s32 $0x1;
	v5 =	vmov s21;
	v12 =	vbroadcast v2, $0x0;
	v6 =	vmov s6  }
0xb6: {  	v3 =	vmov s12;
	s7 =	sadd.s32 $0x10, s7;
	s10 =	scvt.f32.s32 s9;
	v0 =	vadd.s32 v1, v0;
	v1 =	vand.u32 $0xFFFFFFFC, v6  }
0xb7: {  	s8 =	simm.s32 $0x8220;
	[tilespmem:s7+$0x0] =	vst v0;
	v8 =	vbroadcast v1, $0x0;
	v1 =	vand.u32 $0xFFFFFFFD, v3  }
0xb8: {  	s23 =	simm.s32 $0x4;
	s20 =	scvt.s32.f32 s10;
	v3 =	vld [tilespmem:s8+$0x10];
	v10 =	vbroadcast v1, $0x0  }
0xb9: {  	v9 =	vmov s23;
	v0 =	vlaneseq.u32;
	s7 =	simm.s32 $0x8700;
	v4 =	vld [tilespmem:s8+$0xFFFFFFF0]  }
0xba: {  	v14 =	vand.u32 $0xFFFFFFFC, v9;
	p0 =	sgt.f32 s9, s20;
	v7 =	vmul.u32 $0xFFFFFFFF, v0;
	v9 =	vld.idx.msk [tilespmem:v5+s7+$0x0], $0xffff  }
0xbb: {  	s24 =	simm.s32 $0x6;
	s26 =	simm.s32 $0x5;
	s9 =	simm.s32 $0x1;
	v12 =	vld.idx.msk [tilespmem:v12+s7+$0x0], $0xffff  }
0xbc: {  	s28 =	simm.s32 $0x20;
	s29 =	simm.s32 $0x30;
	v13 =	vmov s24;
	v15 =	vmov s26;
	s9 =	simm.s32 @!p0 $0x0;
	v2 =	vadd.s32 $0x4CD, v7;
	v7 =	vld [tilespmem:s8+$0xFFFFFFE0]  }
0xbd: {  	s25 =	simm.s32 $0x7;
	v16 =	vmov s28;
	v17 =	vmov s29;
	v18 =	vand.u32 $0xFFFFFFFE, v13;
	s22 =	sadd.s32 s10, s9;
	v11 =	vld.idx.msk [tilespmem:v8+s7+$0x0], $0xffff  }
0xbe: {  	v15 =	vand.u32 $0xFFFFFFFD, v15;
	v0 =	vmov s22;
	v5 =	vmov s25;
	v13 =	vld.idx.msk [tilespmem:v10+s7+$0x0], $0xffff  }
0xbf: {  	s30 =	simm.s32 $0x10;
	v1 =	vimm.s32 $0x0;
	vm2 =	vlt.u32 v6, v2;
	v8 =	vbroadcast v14, $0x0;
	v14 =	vld [tilespmem:s8+$0x0]  }
0xc0: {  	vm0 =	vlt.u32 v17, v2;
	v6 =	vbroadcast v18, $0x0;
	v10 =	vmov s30  }
0xc1: {  	s9 =	simm.s32 $0x8;
	vm1 =	vlt.u32 v16, v2;
	vm3 =	vlt.u32 v10, v2;
	v10 =	vimm.s32 $0x0;
	s31 =	spop (v2sf)  }
.LBB2_10:
0xc2: {  	p0 =	slt.u32 s9, $0x48;
	v15 =	vbroadcast v15, $0x0;
	v7 =	vadd.s32 v7, v11;
	v3 =	vadd.s32 v3, v9  }
0xc3: {  	v4 =	vadd.s32 v4, v13;
	vm4 =	vle.s32 v7, v0;
	vm5 =	vle.s32 v3, v0  }
0xc4: {  	s8 =	sadd.s32 $0x40, s8;
	vm2 =	vmand vm2, vm4;
	vm4 =	vle.s32 v4, v0;
	v4 =	vadd.s32 v14, v12  }
0xc5: {  	v3 =	vld [tilespmem:s8+$0x10];
	v7 =	vsel vm2, $0x1, v1;
	vm2 =	vmand vm3, vm4;
	vm3 =	vle.s32 v4, v0  }
0xc6: {  	v4 =	vld [tilespmem:s8+$0xFFFFFFF0];
	v9 =	vadd.s32 v7, v10;
	v10 =	vsel vm2, $0x1, v1;
	vm1 =	vmand vm1, vm3  }
0xc7: {  	vm0 =	vmand vm0, vm5;
	v7 =	vld [tilespmem:s8+$0xFFFFFFE0];
	v10 =	vadd.s32 v10, v9;
	v11 =	vsel vm1, $0x1, v1  }
0xc8: {  	s6 =	sadd.s32 $0x40, s6;
	v9 =	vld.idx.msk [tilespmem:v5+s7+$0x0], $0xffff;
	v5 =	vadd.s32 v11, v10;
	v10 =	vsel vm0, $0x1, v1  }
0xc9: {  	s10 =	sadd.s32 $0x2, s9;
	s11 =	sadd.s32 $0x3, s9;
	s12 =	sadd.s32 $0x1, s9;
	v12 =	vmov s9;
	v11 =	vld.idx.msk [tilespmem:v8+s7+$0x0], $0xffff;
	v8 =	vmov s6;
	v10 =	vadd.s32 v10, v5  }
.Ltmp5:
0xca: {  	v14 =	vmov s10;
	s10 =	sadd.s32 $0x20, s6;
	v16 =	vand.u32 $0xFFFFFFFC, v12;
	v5 =	vmov s11;
	s11 =	sadd.s32 $0x30, s6;
	v13 =	vld.idx.msk [tilespmem:v15+s7+$0x0], $0xffff;
	(pc) =	sbr.rel @p0 .LBB2_10-.Ltmp5, $4  }
0xcb: {  	v17 =	vmov s10;
	v15 =	vmov s12;
	s12 =	sadd.s32 $0x10, s6;
	v12 =	vld.idx.msk [tilespmem:v6+s7+$0x0], $0xffff;
	v6 =	vmov s11  }
0xcc: {  	v18 =	vand.u32 $0xFFFFFFFE, v14;
	vm2 =	vlt.u32 v8, v2;
	v19 =	vmov s12;
	v14 =	vld [tilespmem:s8+$0x0]  }
0xcd: {  	v8 =	vbroadcast v16, $0x0;
	v15 =	vand.u32 $0xFFFFFFFD, v15;
	vm0 =	vlt.u32 v6, v2  }
0xce: {  	s9 =	sadd.s32 $0x4, s9;
	vm1 =	vlt.u32 v17, v2;
	v6 =	vbroadcast v18, $0x0;
	vm3 =	vlt.u32 v19, v2  }
0xcf: {  	_ =	sdelay $0x3  }
0xd0: {  	v15 =	vbroadcast v15, $0x0;
	v7 =	vadd.s32 v7, v11;
	v5 =	vld.idx.msk [tilespmem:v5+s7+$0x0], $0xffff  }
0xd1: {  	s8 =	sadd.s32 $0x40, s8;
	v4 =	vadd.s32 v4, v13;
	v3 =	vadd.s32 v3, v9;
	v8 =	vld.idx.msk [tilespmem:v8+s7+$0x0], $0xffff;
	s6 =	sadd.s32 $0x40, s6;
	vm4 =	vle.s32 v7, v0  }
0xd2: {  	v7 =	vld [tilespmem:s8+$0x10];
	v13 =	vmov s6;
	vm2 =	vmand vm2, vm4;
	vm4 =	vle.s32 v4, v0  }
0xd3: {  	v6 =	vld.idx.msk [tilespmem:v6+s7+$0x0], $0xffff;
	v9 =	vadd.s32 v14, v12;
	v11 =	vsel vm2, $0x1, v1;
	vm2 =	vmand vm3, vm4  }
0xd4: {  	v4 =	vld [tilespmem:s8+$0xFFFFFFF0];
	vm3 =	vle.s32 v9, v0;
	v9 =	vadd.s32 v11, v10;
	v10 =	vsel vm2, $0x1, v1  }
0xd5: {  	v12 =	vld [tilespmem:s8+$0xFFFFFFE0];
	vm2 =	vle.s32 v3, v0;
	vm1 =	vmand vm1, vm3;
	v11 =	vimm.s32 $0x4C  }
0xd6: {  	s23 =	sadd.s32 $0x30, s6;
	v3 =	vadd.s32 v10, v9;
	v9 =	vsel vm1, $0x1, v1;
	vm0 =	vmand vm0, vm2;
	v10 =	vld.idx.msk [tilespmem:v15+s7+$0x0], $0xffff  }
0xd7: {  	s9 =	sadd.s32 $0x20, s6;
	s6 =	sadd.s32 $0x10, s6;
	v14 =	vld [tilespmem:s8+$0x0];
	v3 =	vadd.s32 v9, v3;
	v9 =	vsel vm0, $0x1, v1;
	v15 =	vmov s23  }
0xd8: {  	vm0 =	vlt.u32 v13, v2;
	v13 =	vmov s6;
	v5 =	vadd.s32 v7, v5  }
0xd9: {  	v3 =	vadd.s32 v9, v3;
	v9 =	vmov s9;
	vm1 =	vlt.u32 v15, v2  }
0xda: {  	s24 =	simm.s32 $0x8700;
	s29 =	simm.s32 $0x3;
	vm2 =	vlt.u32 v13, v2;
	v8 =	vadd.s32 v12, v8;
	v12 =	vld [tilespmem:$0x86C0];
	vm3 =	vlt.u32 v9, v2  }
0xdb: {  	vm4 =	vle.s32 v8, v0;
	v9 =	vmov s29;
	v2 =	vadd.s32 v4, v10;
	v4 =	vld.idx.msk [tilespmem:v11+s24+$0x0], $0xffff  }
0xdc: {  	vm0 =	vmand vm0, vm4;
	vm4 =	vle.s32 v2, v0;
	v2 =	vadd.s32 v14, v6  }
0xdd: {  	v6 =	vsel vm0, $0x1, v1;
	vm0 =	vmand vm2, vm4;
	vm2 =	vle.s32 v2, v0  }
0xde: {  	s28 =	simm.s32 $0x2020;
	v2 =	vadd.s32 v6, v3;
	v3 =	vsel vm0, $0x1, v1;
	vm2 =	vmand vm3, vm2  }
0xdf: {  	vm0 =	vle.s32 v5, v0;
	v5 =	vld [tilespmem:s28+$0x10];
	v2 =	vadd.s32 v3, v2;
	v3 =	vsel vm2, $0x1, v1  }
0xe0: {  	s26 =	simm.s32 $0x2;
	vm0 =	vmand vm1, vm0;
	vm2 =	vmmov $0x1fff;
	v4 =	vadd.s32 v12, v4  }
0xe1: {  	s10 =	simm.s32 $0x6020;
	v2 =	vadd.s32 v3, v2;
	v3 =	vmov s26;
	vm1 =	vle.s32 v4, v0  }
0xe2: {  	v18 =	vld [tilespmem:s10+$0x10];
	s6 =	simm.s32 $0x0;
	v0 =	vsel vm0, $0x1, v1;
	v1 =	vimm.s32 $0x0;
	vm0 =	vmand vm1, vm2  }
0xe3: {  	v8 =	vld [tilespmem:s28+$0xFFFFFFE0];
	v0 =	vadd.s32 v0, v2;
	v2 =	vmov s6;
	v1 =	vsel vm0, $0x1, v1  }
0xe4: {  	s25 =	simm.s32 $0x1;
	s9 =	simm.s32 $0x8000;
	v6 =	vld [tilespmem:s28+$0xFFFFFFF0];
	v16 =	vand.u32 $0x1FFF, v5;
	v0 =	vadd.s32 v1, v0;
	v1 =	vand.u32 $0xFFFFFFFC, v2  }
0xe5: {  	v9 =	vld.idx.msk [tilespmem:v9+s9+$0x0], $0xffff;
	v2 =	vmov s25;
	v1 =	vbroadcast v1, $0x0;
	(xrf0) =	vadd.scan.msk.s32 $0xffff, v0;
	v0 =	vand.u32 $0xFFFFFFFE, v3  }
0xe6: {  	v2 =	vand.u32 $0xFFFFFFFD, v2;
	v3 =	vbroadcast v0, $0x0  }
0xe7: {  	s31 =	simm.s32 $0x6;
	v7 =	vld [tilespmem:s28+$0x0];
	v2 =	vbroadcast v2, $0x0  }
0xe8: {  	v13 =	vmov s31;
	v10 =	vshra.s32 v8, $0xD  }
0xe9: {  	v20 =	vld [tilespmem:s10+$0xFFFFFFE0];
	v23 =	vand.u32 $0xFFFFFFFE, v13;
	vm5 =	veq.s32 v10, $0x0;
	v12 =	vshra.s32 v6, $0xD  }
0xea: {  	v18 =	vadd.s32 v18, v9;
	vm1 =	veq.s32 v12, $0x0;
	vm0 =	vgt.s32 v10, $0x1;
	v19 =	vld.idx.msk [tilespmem:v16+s6+$0x0], $0xffff  }
0xeb: {  	vm3 =	vgt.s32 v12, $0x1;
	v61 =	vshra.s32 v5, $0xD;
	v11 =	vld.idx.msk [tilespmem:v1+s9+$0x0], $0xffff;
	v1 =	vand.u32 $0x1FFF, v6  }
0xec: {  	vm8 =	vgt.s32 v61, $0x1;
	v4, _, _ =	vpop (xrf0);
	v6 =	vshra.s32 v7, $0xD;
	v17 =	vld.idx.msk [tilespmem:v3+s9+$0x0], $0xffff;
	v3 =	vand.u32 $0x1FFF, v8  }
0xed: {  	v15 =	vld.idx.msk [tilespmem:v2+s9+$0x0], $0xffff;
	v0 =	vbroadcast v4, $0xF;
	v2 =	vand.u32 $0x1FFF, v7;
	vm4 =	veq.s32 v6, $0x0  }
0xee: {  	s11 =	simm.s32 $0x4;
	s30 =	simm.s32 $0x5;
	v21 =	vld [tilespmem:s10+$0xFFFFFFF0];
	v7 =	vadd.s32 $0xFFFFFFFE, v10;
	v10 =	vadd.s32 $0xFFFFFFFE, v12;
	v8 =	vadd.s32 $0xFFFFFFFE, v6  }
0xef: {  	v22 =	vld [tilespmem:s10+$0x0];
	vm2 =	vgt.s32 v6, $0x1;
	v6 =	vmov s11;
	v12 =	vmov s30  }
0xf0: {  	v6 =	vand.u32 $0xFFFFFFFC, v6;
	v12 =	vand.u32 $0xFFFFFFFD, v12;
	vm6 =	vgt.s32 v19, $0x2;
	v9 =	vld.idx.msk [tilespmem:v1+s6+$0x0], $0xffff  }
0xf1: {  	v14 =	vbroadcast v6, $0x0;
	v13 =	vbroadcast v12, $0x0;
	vm7 =	vle.s32 v18, v0;
	v6 =	vld.idx.msk [tilespmem:v3+s6+$0x0], $0xffff  }
0xf2: {  	v12 =	vbroadcast v23, $0x0;
	vm6 =	vmand vm6, vm7;
	vm7 =	veq.s32 v61, $0x0;
	v5 =	vld.idx.msk [tilespmem:v2+s6+$0x0], $0xffff  }
0xf3: {  	v62 =	vadd.s32 v20, v11;
	vm7 =	vmand vm7, vm6;
	v11 =	vadd.s32 $0xFFFFFFFE, v61  }
0xf4: {  	v15 =	vadd.s32 v21, v15;
	v17 =	vadd.s32 v22, v17;
	v63 =	vsel vm7, $0x2, v19  }
0xf5: {  	s12 =	simm.s32 $0x2060;
	s8 =	simm.s32 $0x8780;
	vm10 =	vle.s32 v15, v0;
	v15 =	vsel vm8, v11, v63;
	vm9 =	vle.s32 v17, v0  }
0xf6: {  	s7 =	simm.s32 $0xA780;
	v11 =	vld [tilespmem:s12+$0x10];
	v17 =	vnsel vm6, $0x0, v19;
	vm8 =	vle.s32 v62, v0;
	[tilespmem:v16+s8+$0x0] =	vst.idx.msk $0xffff, v15;
	vm11 =	vgt.s32 v9, $0x2  }
0xf7: {  	s13 =	simm.s32 $0x8;
	v15 =	vld [tilespmem:s12+$0xFFFFFFF0];
	[tilespmem:v16+s7+$0x0] =	vst.idx.msk $0xffff, v17;
	vm7 =	vgt.s32 v6, $0x2;
	vm6 =	vmand vm11, vm10;
	vm10 =	vgt.s32 v5, $0x2  }
.LBB2_12:
0xf8: {  	p0 =	slt.u32 s13, $0x1FC;
	v16 =	vld [tilespmem:s12+$0x0];
	vm8 =	vmand vm7, vm8;
	vm1 =	vmand vm1, vm6;
	vm7 =	vmand vm10, vm9  }
0xf9: {  	s14 =	sadd.s32 $0x3, s11;
	s11 =	smov.u32 s13;
	v17 =	vld [tilespmem:s12+$0xFFFFFFE0];
	vm5 =	vmand vm5, vm8;
	v18 =	vsel vm1, $0x2, v9;
	vm1 =	vmand vm4, vm7  }
0xfa: {  	v19 =	vmov s14;
	v20 =	vsel vm5, $0x2, v6;
	v21 =	vsel vm1, $0x2, v5  }
0xfb: {  	v10 =	vsel vm3, v10, v18;
	v22 =	vld.idx.msk [tilespmem:v14+s9+$0x0], $0xffff;
	v23 =	vand.u32 $0x1FFF, v11;
	v7 =	vsel vm0, v7, v20  }
0xfc: {  	v14 =	vshra.s32 v15, $0xD;
	v15 =	vand.u32 $0x1FFF, v15;
	v18 =	vld.idx.msk [tilespmem:v13+s9+$0x0], $0xffff;
	[tilespmem:v3+s8+$0x0] =	vst.idx.msk $0xffff, v7;
	v7 =	vsel vm2, v8, v21  }
0xfd: {  	s10 =	sadd.s32 $0x40, s10;
	vm1 =	veq.s32 v14, $0x0;
	v13 =	vshra.s32 v16, $0xD;
	v16 =	vand.u32 $0x1FFF, v16;
	v20 =	vld.idx.msk [tilespmem:v12+s9+$0x0], $0xffff;
	[tilespmem:v1+s8+$0x0] =	vst.idx.msk $0xffff, v10  }
0xfe: {  	v8 =	vshra.s32 v17, $0xD;
	v12 =	vand.u32 $0x1FFF, v17;
	vm4 =	veq.s32 v13, $0x0;
	v17 =	vld [tilespmem:s10+$0x10];
	[tilespmem:v2+s8+$0x0] =	vst.idx.msk $0xffff, v7  }
0xff: {  	v7 =	vadd.s32 $0xFFFFFFFE, v8;
	vm0 =	vgt.s32 v8, $0x1;
	vm5 =	veq.s32 v8, $0x0;
	v19 =	vld.idx.msk [tilespmem:v19+s9+$0x0], $0xffff  }
0x100: {  	v10 =	vadd.s32 $0xFFFFFFFE, v14;
	vm3 =	vgt.s32 v14, $0x1;
	v8 =	vadd.s32 $0xFFFFFFFE, v13;
	v21 =	vld.idx.msk [tilespmem:v23+s6+$0x0], $0xffff  }
0x101: {  	v9 =	vnsel vm6, $0x0, v9;
	v6 =	vnsel vm8, $0x0, v6;
	vm2 =	vgt.s32 v13, $0x1;
	v24 =	vld [tilespmem:s10+$0xFFFFFFE0]  }
0x102: {  	s15 =	sadd.s32 $0x2, s13;
	s14 =	sadd.s32 $0x1, s13;
	v5 =	vnsel vm7, $0x0, v5;
	v13 =	vmov s13;
	v25 =	vld [tilespmem:s10+$0xFFFFFFF0];
	[tilespmem:v3+s7+$0x0] =	vst.idx.msk $0xffff, v6;
	v3 =	vmov v12  }
0x103: {  	v26 =	vmov s15;
	v6 =	vand.u32 $0xFFFFFFFC, v13;
	v13 =	vmov s14;
	v27 =	vld [tilespmem:s10+$0x0];
	[tilespmem:v1+s7+$0x0] =	vst.idx.msk $0xffff, v9;
	v1 =	vmovc v15  }
0x104: {  	v26 =	vand.u32 $0xFFFFFFFE, v26;
	v14 =	vbroadcast v6, $0x0;
	v9 =	vand.u32 $0xFFFFFFFD, v13;
	v6 =	vld.idx.msk [tilespmem:v12+s6+$0x0], $0xffff;
	[tilespmem:v2+s7+$0x0] =	vst.idx.msk $0xffff, v5;
	v2 =	vmovc v16  }
0x105: {  	v13 =	vbroadcast v9, $0x0;
	v12 =	vbroadcast v26, $0x0;
	v9 =	vld.idx.msk [tilespmem:v15+s6+$0x0], $0xffff;
	v15 =	vadd.s32 v17, v19  }
0x106: {  	v11 =	vshra.s32 v11, $0xD;
	vm6 =	vgt.s32 v21, $0x2;
	v5 =	vld.idx.msk [tilespmem:v16+s6+$0x0], $0xffff;
	vm7 =	vle.s32 v15, v0  }
0x107: {  	v15 =	vadd.s32 v25, v18;
	vm6 =	vmand vm6, vm7;
	vm7 =	veq.s32 v11, $0x0  }
.Ltmp6:
0x108: {  	v16 =	vadd.s32 v24, v22;
	v17 =	vadd.s32 v27, v20;
	vm7 =	vmand vm7, vm6;
	(pc) =	sbr.rel @p0 .LBB2_12-.Ltmp6, $4  }
0x109: {  	vm8 =	vgt.s32 v11, $0x1;
	v18 =	vadd.s32 $0xFFFFFFFE, v11;
	v11 =	vsel vm7, $0x2, v21  }
0x10a: {  	s12 =	sadd.s32 $0x40, s12;
	vm10 =	vle.s32 v15, v0;
	vm7 =	vgt.s32 v6, $0x2;
	v15 =	vsel vm8, v18, v11  }
0x10b: {  	vm9 =	vle.s32 v17, v0;
	v17 =	vnsel vm6, $0x0, v21;
	vm11 =	vgt.s32 v9, $0x2;
	v11 =	vld [tilespmem:s12+$0x10];
	[tilespmem:v23+s8+$0x0] =	vst.idx.msk $0xffff, v15  }
0x10c: {  	s13 =	sadd.s32 $0x4, s13;
	vm8 =	vle.s32 v16, v0;
	vm6 =	vmand vm11, vm10;
	vm10 =	vgt.s32 v5, $0x2;
	v15 =	vld [tilespmem:s12+$0xFFFFFFF0];
	[tilespmem:v23+s7+$0x0] =	vst.idx.msk $0xffff, v17  }
0x10d: {  	_ =	sdelay $0x1  }
0x10e: {  	v17 =	vld [tilespmem:s12+$0x0]  }
0x10f: {  	v18 =	vld [tilespmem:s12+$0xFFFFFFE0];
	vm8 =	vmand vm7, vm8  }
0x110: {  	s11 =	sadd.s32 $0x3, s11;
	v14 =	vld.idx.msk [tilespmem:v14+s9+$0x0], $0xffff;
	vm1 =	vmand vm1, vm6;
	vm11 =	vmand vm10, vm9;
	(v2sf) =	vpush v4, $0xF  }
0x111: {  	v13 =	vld.idx.msk [tilespmem:v13+s9+$0x0], $0xffff;
	v55 =	vnsel vm6, $0x0, v9;
	v16 =	vmov s11;
	vm5 =	vmand vm5, vm8  }
0x112: {  	s10 =	sadd.s32 $0x40, s10;
	v12 =	vld.idx.msk [tilespmem:v12+s9+$0x0], $0xffff;
	vm4 =	vmand vm4, vm11;
	v21 =	vsel vm1, $0x2, v9;
	v20 =	vand.u32 $0x1FFF, v11  }
0x113: {  	v19 =	vld [tilespmem:s10+$0x10];
	v54 =	vnsel vm8, $0x0, v6;
	v59 =	vnsel vm11, $0x0, v5;
	v22 =	vsel vm5, $0x2, v6  }
0x114: {  	v51 =	vld [tilespmem:s10+$0xFFFFFFE0];
	v23 =	vsel vm4, $0x2, v5;
	v10 =	vsel vm3, v10, v21;
	v49 =	vand.u32 $0x1FFF, v15  }
0x115: {  	v25 =	vld [tilespmem:s10+$0xFFFFFFF0];
	v7 =	vsel vm0, v7, v22;
	v8 =	vsel vm2, v8, v23;
	v50 =	vand.u32 $0x1FFF, v18  }
0x116: {  	v60 =	vshra.s32 v11, $0xD;
	v24 =	vshra.s32 v17, $0xD;
	v17 =	vand.u32 $0x1FFF, v17;
	v16 =	vld.idx.msk [tilespmem:v16+s9+$0x0], $0xffff  }
0x117: {  	v48 =	vshra.s32 v15, $0xD;
	vm14 =	veq.s32 v60, $0x0;
	vm15 =	vgt.s32 v60, $0x1;
	v52 =	vld.idx.msk [tilespmem:v20+s6+$0x0], $0xffff  }
0x118: {  	v53 =	vld [tilespmem:s10+$0x0];
	v62 =	vadd.s32 $0xFFFFFFFE, v60;
	vm0 =	veq.s32 v48, $0x0;
	v18 =	vshra.s32 v18, $0xD  }
0x119: {  	vm3 =	vgt.s32 v48, $0x1;
	v21 =	vadd.s32 $0xFFFFFFFE, v48;
	vm1 =	veq.s32 v24, $0x0;
	v58 =	vld.idx.msk [tilespmem:v49+s6+$0x0], $0xffff  }
0x11a: {  	vm2 =	vgt.s32 v18, $0x1;
	vm4 =	veq.s32 v18, $0x0;
	v18 =	vadd.s32 $0xFFFFFFFE, v18;
	v56 =	vld.idx.msk [tilespmem:v50+s6+$0x0], $0xffff  }
0x11b: {  	v13 =	vadd.s32 v25, v13;
	v57 =	vadd.s32 $0xFFFFFFFE, v24;
	v61 =	vld.idx.msk [tilespmem:v17+s6+$0x0], $0xffff;
	v16 =	vadd.s32 v19, v16  }
0x11c: {  	[tilespmem:v1+s8+$0x0] =	vst.idx.msk $0xffff, v10;
	v14 =	vadd.s32 v51, v14;
	vm12 =	vle.s32 v16, v0;
	vm13 =	vgt.s32 v52, $0x2  }
0x11d: {  	[tilespmem:v3+s8+$0x0] =	vst.idx.msk $0xffff, v7;
	v4 =	vadd.s32 v53, v12;
	vm5 =	vmand vm13, vm12;
	vm12 =	vle.s32 v13, v0  }
0x11e: {  	[tilespmem:v2+s8+$0x0] =	vst.idx.msk $0xffff, v8;
	vm13 =	vgt.s32 v58, $0x2;
	vm6 =	vmand vm14, vm5;
	vm14 =	vle.s32 v14, v0  }
0x11f: {  	[tilespmem:v1+s7+$0x0] =	vst.idx.msk $0xffff, v55;
	v1 =	vnsel vm5, $0x0, v52;
	v63 =	vsel vm6, $0x2, v52;
	vm6 =	vgt.s32 v56, $0x2  }
0x120: {  	[tilespmem:v3+s7+$0x0] =	vst.idx.msk $0xffff, v54;
	vm12 =	vmand vm13, vm12;
	vm13 =	vgt.s32 v61, $0x2;
	vm11 =	vmand vm6, vm14  }
0x121: {  	[tilespmem:v2+s7+$0x0] =	vst.idx.msk $0xffff, v59;
	v3 =	vsel vm15, v62, v63;
	vm15 =	vle.s32 v4, v0;
	vm4 =	vmand vm4, vm11  }
0x122: {  	vm0 =	vmand vm0, vm12;
	[tilespmem:v20+s8+$0x0] =	vst.idx.msk $0xffff, v3;
	vm7 =	vmand vm13, vm15;
	v2 =	vsel vm4, $0x2, v56  }
0x123: {  	s31 =	spop (v2sf);
	[tilespmem:v20+s7+$0x0] =	vst.idx.msk $0xffff, v1;
	v1 =	vsel vm0, $0x2, v58;
	vm14 =	vmand vm1, vm7;
	v2 =	vsel vm2, v18, v2  }
0x124: {  	p0 =	sle.s32 s31, s5;
	vm15 =	vgt.s32 v24, $0x1;
	v3 =	vsel vm14, $0x2, v61;
	v1 =	vsel vm3, v21, v1;
	[tilespmem:v50+s8+$0x0] =	vst.idx.msk $0xffff, v2  }
.Ltmp7:
0x125: {  	v2 =	vsel vm15, v57, v3;
	[tilespmem:v49+s8+$0x0] =	vst.idx.msk $0xffff, v1;
	(pc) =	sbr.rel @p0 .LBB2_17-.Ltmp7, $4  }
0x126: {  	v1 =	vnsel vm11, $0x0, v56;
	[tilespmem:v17+s8+$0x0] =	vst.idx.msk $0xffff, v2  }
0x127: {  	v2 =	vnsel vm12, $0x0, v58;
	[tilespmem:v50+s7+$0x0] =	vst.idx.msk $0xffff, v1  }
0x128: {  	v1 =	vnsel vm7, $0x0, v61;
	[tilespmem:v49+s7+$0x0] =	vst.idx.msk $0xffff, v2  }
0x129: {  	[tilespmem:v17+s7+$0x0] =	vst.idx.msk $0xffff, v1  }
0x12a: {  	s6 =	simm.s32 $0x80  }
0x12b: {  	s7 =	simm.s32 $0x200;
	s8 =	simm.s32 $0x4000;
	s30 =	simm.s32 $0x3  }
0x12c: {  	[tilespmem:s8], [sflag:$0x3] =	stream.strided.gather [hbm4b:s4+s6], $0x2000, s7, s6, $0x38;
	[tilespmem:$0xC780] =	vst v63  }
0x12d: {  	_ =	swait.ge [sflag:s30], $0x2000  }
0x12e: {  	[sflag:s30] =	ssyncset.done $0x0  }
0x12f: {  	s9 =	simm.s32 $0x0;
	[sflag:s30] =	ssyncadd.s32 $0xFFFFE000  }
0x130: {  	v6 =	vld [tilespmem:s9+$0x0];
	_ =	sdelay $0x2  }
0x131: {  	s6 =	simm.s32 $0x20  }
0x132: {  	s8 =	simm.s32 $0x10;
	v1 =	vld [tilespmem:s6+$0x0]  }
0x133: {  	v5 =	vimm.s32 $0x0;
	v4 =	vld [tilespmem:s8+$0x0];
	vm0 =	vlt.s32 v6, $0x3  }
0x134: {  	v2 =	vsel vm0, $0x1, v5  }
0x135: {  	(xrf0) =	vadd.scan.msk.s32 $0xffff, v2;
	_ =	sdelay $0x1  }
0x136: {  	vm2 =	vlt.s32 v1, $0x3  }
0x137: {  	vm1 =	vlt.s32 v4, $0x3;
	v3 =	vsel vm2, $0x1, v5  }
0x138: {  	v2 =	vsel vm1, $0x1, v5  }
0x139: {  	(xrf0) =	vadd.scan.msk.s32 $0xffff, v2  }
0x13a: {  	(xrf0) =	vadd.scan.msk.s32 $0xffff, v3;
	v3, _, _ =	vpop (xrf0)  }
0x13b: {  	(v2sf) =	vpush v3, $0xF;
	_ =	sdelay $0x3  }
0x13c: {  	v7, _, _ =	vpop (xrf0)  }
0x13d: {  	(v2sf) =	vpush v7, $0xF;
	v8, _, _ =	vpop (xrf0)  }
0x13e: {  	s4 =	simm.s32 $0x30;
	(v2sf) =	vpush v8, $0xF  }
0x13f: {  	v2 =	vld [tilespmem:s4+$0x0]  }
0x140: {  	v11 =	vld [tilespmem:s9+$0x4000]  }
0x141: {  	vm0 =	vmmov vm0  }
0x142: {  	s31 =	sadd.s32 $0x0, s5;
	v10 =	vld [tilespmem:s9+$0x8780];
	vm0 =	vmmov vm0;
	vm1 =	vmmov vm1  }
0x143: {  	v9 =	vld [tilespmem:s9+$0xA780];
	vm3 =	vmmov vm0;
	vm4 =	vmmov vm1;
	v3 =	vadd.s32 s31, v3  }
0x144: {  	vm0 =	vmmov vm2;
	vm1 =	vlt.s32 v2, $0x3;
	vm2 =	vle.s32 v3, v0  }
0x145: {  	s7 =	simm.s32 $0x40;
	v12 =	vsel vm1, $0x1, v5;
	vm3 =	vmand vm3, vm2;
	vm2 =	veq.s32 v11, $0xFFFFFFFE  }
0x146: {  	s10 =	simm.s32 $0x0;
	s11 =	simm.s32 $0x140;
	v3 =	vld [tilespmem:s7+$0x0];
	(xrf0) =	vadd.scan.msk.s32 $0xffff, v12;
	vm5 =	vmand vm2, vm3;
	vm2 =	vmmov vm4  }
.LBB2_15:
0x147: {  	p0 =	sne.s32 s11, $0x7FC0;
	v11 =	vld [tilespmem:s8+$0x4000];
	v10 =	vsel vm5, $0x2, v10;
	s12 =	spop (v2sf);
	vm4 =	vmmov vm0;
	vm0 =	vmmov vm1  }
0x148: {  	[tilespmem:s9+$0x8780] =	vst v10;
	v9 =	vsel vm3, v6, v9;
	s10 =	sadd.s32 s10, s12;
	v6 =	vmovc v4;
	v4 =	vmov v1;
	v1 =	vmov v2  }
.Ltmp8:
0x149: {  	s12 =	sadd.s32 s5, s10;
	v10 =	vld [tilespmem:s8+$0x8780];
	[tilespmem:s9+$0xA780] =	vst v9;
	s9 =	smov.u32 s8;
	(pc) =	sbr.rel @p0 .LBB2_15-.Ltmp8, $4  }
0x14a: {  	s8 =	smov.u32 s6;
	s6 =	smov.u32 s4;
	s4 =	smov.u32 s7;
	v12 =	vadd.s32 s12, v7;
	v9 =	vld [tilespmem:s9+$0xA780];
	v7 =	vmov v8  }
0x14b: {  	vm1 =	vlt.s32 v3, $0x3;
	vm3 =	vle.s32 v12, v0;
	v2 =	vmov v3  }
0x14c: {  	s7 =	sshra.s32 s11, $0x2;
	v12 =	vsel vm1, $0x1, v5;
	v8, _, _ =	vpop (xrf0);
	vm3 =	vmand vm2, vm3;
	vm2 =	veq.s32 v11, $0xFFFFFFFE  }
0x14d: {  	s11 =	sadd.s32 $0x40, s11;
	v3 =	vld [tilespmem:s7+$0x0];
	(xrf0) =	vadd.scan.msk.s32 $0xffff, v12;
	(v2sf) =	vpush v8, $0xF;
	vm5 =	vmand vm2, vm3;
	vm2 =	vmmov vm4  }
0x14e: {  	v11 =	vld [tilespmem:s8+$0x4000];
	v10 =	vsel vm5, $0x2, v10;
	s11 =	spop (v2sf)  }
0x14f: {  	[tilespmem:s9+$0x8780] =	vst v10;
	s10 =	sadd.s32 s10, s11;
	v6 =	vsel vm3, v6, v9  }
0x150: {  	s11 =	sadd.s32 s5, s10;
	v47 =	vld [tilespmem:s8+$0x8780];
	[tilespmem:s9+$0xA780] =	vst v6  }
0x151: {  	v48 =	vadd.s32 s11, v7;
	v49 =	vld [tilespmem:s8+$0xA780]  }
0x152: {  	vm15 =	vle.s32 v48, v0  }
0x153: {  	vm3 =	vmand vm2, vm15;
	vm6 =	veq.s32 v11, $0xFFFFFFFE;
	v50, _, _ =	vpop (xrf0)  }
0x154: {  	vm7 =	vlt.s32 v3, $0x3;
	vm4 =	vmand vm6, vm3;
	(v2sf) =	vpush v50, $0xF  }
0x155: {  	s26 =	spop (v2sf);
	v10 =	vld [tilespmem:s6+$0x4000];
	v5 =	vsel vm7, $0x1, v5;
	v9 =	vsel vm4, $0x2, v47  }
0x156: {  	s9 =	sadd.s32 s10, s26;
	(xrf0) =	vadd.scan.msk.s32 $0xffff, v5;
	[tilespmem:s8+$0x8780] =	vst v9;
	v4 =	vsel vm3, v4, v49  }
0x157: {  	s10 =	sadd.s32 s5, s9;
	v51 =	vld [tilespmem:s6+$0x8780];
	[tilespmem:s8+$0xA780] =	vst v4  }
0x158: {  	vm0 =	vmmov vm0;
	v52 =	vadd.s32 s10, v8;
	v53 =	vld [tilespmem:s6+$0xA780]  }
0x159: {  	vm0 =	vmmov vm0;
	vm8 =	vle.s32 v52, v0  }
0x15a: {  	vm0 =	vmand vm0, vm8;
	vm9 =	veq.s32 v10, $0xFFFFFFFE  }
0x15b: {  	vm3 =	vmand vm9, vm0  }
0x15c: {  	v54 =	vld [tilespmem:s4+$0x4000];
	v55, _, _ =	vpop (xrf0);
	v5 =	vsel vm3, $0x2, v51;
	s28 =	spop (v2sf)  }
0x15d: {  	(v2sf) =	vpush v55, $0xF;
	[tilespmem:s6+$0x8780] =	vst v5;
	s8 =	sadd.s32 s9, s28;
	v1 =	vsel vm0, v1, v53  }
0x15e: {  	vm1 =	vmmov vm1;
	s9 =	sadd.s32 s5, s8;
	v5 =	vld [tilespmem:s4+$0x8780];
	[tilespmem:s6+$0xA780] =	vst v1  }
0x15f: {  	vm10 =	vmmov vm1;
	v56 =	vadd.s32 s9, v50;
	v57 =	vld [tilespmem:s4+$0xA780]  }
0x160: {  	vm0 =	vmmov vm10;
	vm11 =	vle.s32 v56, v0  }
0x161: {  	vm12 =	veq.s32 v54, $0xFFFFFFFE;
	vm0 =	vmand vm0, vm11  }
0x162: {  	vm1 =	vmand vm12, vm0  }
0x163: {  	v58 =	vld [tilespmem:s7+$0x4000];
	v59 =	vsel vm1, $0x2, v5;
	s29 =	spop (v2sf)  }
0x164: {  	[tilespmem:s4+$0x8780] =	vst v59;
	v2 =	vsel vm0, v2, v57;
	s6 =	sadd.s32 s8, s29  }
0x165: {  	vm13 =	vmmov vm7;
	v4 =	vld [tilespmem:s7+$0x8780];
	s30 =	sadd.s32 s5, s6;
	[tilespmem:s4+$0xA780] =	vst v2  }
0x166: {  	vm0 =	vmmov vm13;
	v60 =	vadd.s32 s30, v55;
	v61 =	vld [tilespmem:s7+$0xA780]  }
0x167: {  	vm0 =	vmmov vm0;
	vm14 =	vle.s32 v60, v0  }
0x168: {  	vm15 =	veq.s32 v58, $0xFFFFFFFE;
	vm0 =	vmand vm0, vm14  }
0x169: {  	vm1 =	vmand vm15, vm0  }
0x16a: {  	v62 =	vsel vm1, $0x2, v4  }
0x16b: {  	[tilespmem:s7+$0x8780] =	vst v62;
	v63 =	vsel vm0, v3, v61  }
0x16c: {  	s31 =	spop (v2sf);
	[tilespmem:s7+$0xA780] =	vst v63  }
.LBB2_17:
0x16d: {  	s4 =	simm.s32 $0x80  }
0x16e: {  	s5 =	simm.s32 $0x200;
	s6 =	simm.s32 $0x8780;
	s30 =	simm.s32 $0x3  }
0x16f: {  	[hbm4b:s2+s4] =	stream.strided.scatter [tilespmem:s6], [sflag:$0x3], $0x2000, s5, s4, $0x38;
	[tilespmem:$0xC780] =	vst v63  }
0x170: {  	_ =	swait.ge [sflag:s30], $0x2000  }
0x171: {  	[sflag:s30] =	ssyncset.done $0x0  }
0x172: {  	s31 =	simm.s32 $0xA780;
	[sflag:s30] =	ssyncadd.s32 $0xFFFFE000  }
0x173: {  	[hbm4b:s3+s4] =	stream.strided.scatter [tilespmem:s31], [sflag:$0x3], $0x2000, s5, s4, $0x38;
	[tilespmem:$0xC780] =	vst v63  }
0x174: {  	_ =	swait.ge [sflag:s30], $0x2000  }
0x175: {  	[sflag:s30] =	ssyncset.done $0x0  }
0x176: {  	[sflag:s30] =	ssyncadd.s32 $0xFFFFE000  }
.LBB2_18:
0x177: {  	_ =	sfence.sel $0x180000  }
0x178: {  	[bflag:$0x0] =	sbarrier.arrive $0xFFFF  }
0x179: {  	p0 =	sne.s32 s1, $0x0;
	_ =	strace $0x90000047  }
0x17a: {  	s0 =	sadd.s32 @!p0 $0x100000, s0;
	[bflag:$0x2] =	sbarrier.arrive $0xFFFF  }
0x17b: {  	[sflag:s0] =	ssyncadd.tile.s32 @!p0 $0x1;
	_ =	shalt  }
.Lfunc_end2:
_tile_overlayer_lowered:
.L_overlay_start_2:
0x17c: {  	(tag) =	ssettag $0x2  }
0x17d: {  	s0 =	rddreg [dreg:$0x0];
	s2 =	stileid.u32  }
0x17e: {  	s1 =	rddreg [dreg:$0x1];
	p0 =	sne.s32 s2, $0x0  }
0x17f: {  	s3 =	rddreg [dreg:$0x2];
	[bflag:$0x3] =	sbarrier.arrive $0xFFFF;
	s2 =	simm.s32 @!p0 $0x1C03  }
0x180: {  	[timem:s3], [sflag:s2] =	dma.local @!p0 [hbm:s0], s1  }
0x181: {  	s0 =	simm.s32 @!p0 $0x3  }
0x182: {  	_ =	swait.ge @!p0 [sflag:s0], s1  }
0x183: {  	s1 =	ssub.s32 @!p0 $0x0, s1;
	[sflag:s0] =	ssyncset.done @!p0 $0x0  }
0x184: {  	[sflag:s0] =	ssyncadd.s32 @!p0 s1  }
0x185: {  	[bflag:$0x3] =	sbarrier.arrive $0xFFFF  }
0x186: {  	_ =	shalt  }

</sc_bundles>
